<compile_context>
chip_gen: v7x
topology: tpu7x:2x2x1
jax: 0.10.2.dev20260603
libtpu: 0.0.44.dev20260713+nightly
codegen_flags: <defaults>
</compile_context>

<pallas_src>
import functools

import jax
import jax.numpy as jnp
from jax import lax
from jax.experimental import pallas as pl
from jax.experimental.pallas import tpu as pltpu
from jax.experimental.pallas import tpu_sc as plsc

V = 100000
F = 32
B = 2
G = 96
IGNORE = -1

NC = 2
NS = 16
L = 16
NW = NC * NS
C = 128
E = 8 * C

OCC_N = B * G * G * G

_CORNERS = [(dx, dy, dz) for dx in (0, 1) for dy in (0, 1) for dz in (0, 1)]


def _body(occ_hbm, qpack_hbm, feat_hbm, zeros_hbm,
          qf_out, idx_out, w_out, acc_out,
          acc_sp,
          qin_v, cell_v, low_v, inb_v, w0_v, safe_v, weff_v, oi_v,
          occg_v, feat_v, qf_v,
          sem_in, sem_g, sem_out, *, T):
    c_id = lax.axis_index("c")
    s_id = lax.axis_index("s")
    wid = s_id * NC + c_id

    @pl.when(s_id == 0)
    def _():
        pltpu.sync_copy(zeros_hbm, acc_sp)

    plsc.subcore_barrier()

    def block(t, carry):
        g = wid * T + t
        q0 = g * C

        pltpu.async_copy(qpack_hbm.at[g], qin_v, sem_in).wait()

        def abody(j, carryA):
            sl = pl.ds(j * L, L)
            qb = qin_v[0, sl].astype(jnp.int32)
            qx = qin_v[1, sl]
            qy = qin_v[2, sl]
            qz = qin_v[3, sl]

            def floor_parts(q):
                t0 = q.astype(jnp.int32)
                fl = jnp.where(t0.astype(jnp.float32) > q, t0 - 1, t0)
                return fl, q - fl.astype(jnp.float32)

            x0, fx = floor_parts(qx)
            y0, fy = floor_parts(qy)
            z0, fz = floor_parts(qz)
            base_b = qb * (G * G * G)
            for ci, (dx, dy, dz) in enumerate(_CORNERS):
                cx = x0 + dx
                cy = y0 + dy
                cz = z0 + dz
                inb = ((cx >= 0) & (cx < G) & (cy >= 0) & (cy < G)
                       & (cz >= 0) & (cz < G))
                cxc = jnp.minimum(jnp.maximum(cx, 0), G - 1)
                cyc = jnp.minimum(jnp.maximum(cy, 0), G - 1)
                czc = jnp.minimum(jnp.maximum(cz, 0), G - 1)
                cell = base_b + (cxc * G + cyc) * G + czc
                wx = fx if dx else 1.0 - fx
                wy = fy if dy else 1.0 - fy
                wz = fz if dz else 1.0 - fz
                fsl = pl.ds(ci * C + j * L, L)
                cell_v[fsl] = lax.shift_right_logical(cell, 4)
                low_v[fsl] = cell & 15
                inb_v[fsl] = jnp.where(inb, 1, 0)
                w0_v[fsl] = wx * wy * wz
            return carryA

        lax.fori_loop(0, C // L, abody, 0)

        pltpu.async_copy(occ_hbm.at[cell_v], occg_v, sem_g).wait()

        def bbody(j, carryB):
            for ci in range(8):
                fsl = pl.ds(ci * C + j * L, L)
                rvec = ci * C + j * L + lax.iota(jnp.int32, L)
                gv = plsc.load_gather(occg_v, [rvec, low_v[fsl]])
                inb = inb_v[fsl] > 0
                w = w0_v[fsl]
                valid = inb & (gv >= 0)
                safe_v[fsl] = jnp.where(valid, gv, 0)
                weff_v[fsl] = jnp.where(valid, w, 0.0)
                oi_v[fsl] = jnp.where(valid, gv, IGNORE)
            return carryB

        lax.fori_loop(0, C // L, bbody, 0)

        pltpu.async_copy(feat_hbm.at[safe_v], feat_v, sem_g).wait()

        def qbody(j, carry2):
            base = j * L
            wvs = [weff_v[pl.ds(ci * C + base, L)] for ci in range(8)]
            for l in range(L):
                q = base + l
                acc0 = jnp.zeros((L,), jnp.float32)
                acc1 = jnp.zeros((L,), jnp.float32)
                for ci in range(8):
                    w = wvs[ci][l]
                    acc0 = acc0 + w * feat_v[ci * C + q, pl.ds(0, L)]
                    acc1 = acc1 + w * feat_v[ci * C + q, pl.ds(L, L)]
                qf_v[q, pl.ds(0, L)] = acc0
                qf_v[q, pl.ds(L, L)] = acc1
            return carry2

        lax.fori_loop(0, 0, qbody, 0)

        ocps = [pltpu.async_copy(qf_v, qf_out.at[pl.ds(q0, C)], sem_out),
                pltpu.async_copy(oi_v, idx_out.at[g], sem_out),
                pltpu.async_copy(weff_v, w_out.at[g], sem_out)]
        for cp in ocps:
            cp.wait()
        return carry

    lax.fori_loop(0, T, block, 0)

    plsc.subcore_barrier()

    @pl.when(s_id == 0)
    def _():
        pltpu.sync_copy(acc_sp, acc_out.at[c_id])


def kernel(coords, features, query_points):
    Q = query_points.shape[0]
    T = -(-Q // (NW * C))
    NBLK = NW * T
    Q_pad = NBLK * C

    c_xyz = coords[:, 1:]
    q_b = query_points[:, 0].astype(jnp.int32)
    q_xyz = query_points[:, 1:]
    big = jnp.int32(2 ** 30)
    for b in range(B):
        vmask = coords[:, 0] == b
        shift = jnp.min(jnp.where(vmask[:, None], c_xyz, big), axis=0)
        c_xyz = jnp.where(vmask[:, None], c_xyz - shift, c_xyz)
        qmask = q_b == b
        q_xyz = jnp.where(qmask[:, None], q_xyz - shift.astype(q_xyz.dtype), q_xyz)

    occ = jnp.full((B, G, G, G), IGNORE, dtype=jnp.int32)
    occ = occ.at[coords[:, 0], c_xyz[:, 0], c_xyz[:, 1], c_xyz[:, 2]].set(
        jnp.arange(V, dtype=jnp.int32))
    occ_rows = occ.reshape(-1, 16)

    pad = Q_pad - Q
    qsoa = jnp.concatenate(
        [jnp.concatenate([q_b.astype(jnp.float32),
                          jnp.zeros((pad,), jnp.float32)])[None],
         jnp.concatenate([q_xyz.T, jnp.full((3, pad), -100.0, jnp.float32)],
                         axis=1)], axis=0)
    qpack = qsoa.reshape(4, NBLK, C).transpose(1, 0, 2)
    zeros_v = jnp.zeros((V,), jnp.float32)

    mesh = plsc.VectorSubcoreMesh(core_axis_name="c", subcore_axis_name="s",
                                  num_cores=NC, num_subcores=NS)
    run = pl.kernel(
        functools.partial(_body, T=T),
        out_type=[jax.ShapeDtypeStruct((Q_pad, F), jnp.float32),
                  jax.ShapeDtypeStruct((NBLK, E), jnp.int32),
                  jax.ShapeDtypeStruct((NBLK, E), jnp.float32),
                  jax.ShapeDtypeStruct((NC, V), jnp.float32)],
        mesh=mesh,
        compiler_params=pltpu.CompilerParams(use_tc_tiling_on_sc=False,
                                             needs_layout_passes=False),
        scratch_types=[
            pltpu.VMEM_SHARED((V,), jnp.float32),
            pltpu.VMEM((4, C), jnp.float32),
            pltpu.VMEM((E,), jnp.int32),
            pltpu.VMEM((E,), jnp.int32),
            pltpu.VMEM((E,), jnp.int32),
            pltpu.VMEM((E,), jnp.float32),
            pltpu.VMEM((E,), jnp.int32),
            pltpu.VMEM((E,), jnp.float32),
            pltpu.VMEM((E,), jnp.int32),
            pltpu.VMEM((E, 16), jnp.int32),
            pltpu.VMEM((E, F), jnp.float32),
            pltpu.VMEM((C, F), jnp.float32),
            pltpu.SemaphoreType.DMA,
            pltpu.SemaphoreType.DMA,
            pltpu.SemaphoreType.DMA,
        ],
    )
    qf_pad, idx_cm, w_cm, acc_part = run(occ_rows, qpack, features, zeros_v)

    idx_pad = idx_cm.reshape(NBLK, 8, C).transpose(0, 2, 1).reshape(Q_pad, 8)
    w_pad = w_cm.reshape(NBLK, 8, C).transpose(0, 2, 1).reshape(Q_pad, 8)
    return (qf_pad[:Q], idx_pad[:Q], w_pad[:Q], acc_part.sum(axis=0))

# --- scband reference (transcript-rebuilt; emitter-appended) ---
"""Pipeline reference for scband-trilinear-interpolate-features-80221399154757 (READ-ONLY COPY).

The authoritative reference and input builder live on the scoring server;
editing this copy changes nothing except your own understanding.
"""

import jax, jax.numpy as jnp
import numpy as np

V = 100000
F = 32
B = 2
G = 96
Q = 200000
IGNORE = -1


def setup_inputs(seed: int = 0) -> dict:
    key = jax.random.key(seed)
    k1, k2, k3, k4, k5 = jax.random.split(key, 5)
    bidx = jax.random.randint(k1, (V, 1), 0, B)
    xyz = jax.random.randint(k2, (V, 3), 0, G)
    coords = jnp.concatenate([bidx, xyz], axis=1).astype(jnp.int32)
    features = jax.random.normal(k3, (V, F), dtype=jnp.float32)
    qb = jax.random.randint(k4, (Q, 1), 0, B).astype(jnp.float32)
    qxyz = jax.random.uniform(k5, (Q, 3), minval=0.0, maxval=float(G - 1), dtype=jnp.float32)
    query_points = jnp.concatenate([qb, qxyz], axis=1)
    return {"coords": coords, "features": features, "query_points": query_points}


def reference(coords, features, query_points):
    # Per-batch coordinate shift so each batch's min coord is 0 (faithful to module).
    c_xyz = coords[:, 1:]
    q_b = query_points[:, 0].astype(jnp.int32)
    q_xyz = query_points[:, 1:]
    big = jnp.int32(2 ** 30)
    for b in range(B):
        vmask = coords[:, 0] == b
        shift = jnp.min(jnp.where(vmask[:, None], c_xyz, big), axis=0)
        c_xyz = jnp.where(vmask[:, None], c_xyz - shift, c_xyz)
        qmask = q_b == b
        q_xyz = jnp.where(qmask[:, None], q_xyz - shift.astype(q_xyz.dtype), q_xyz)
    # Dense occupancy grid mapping (b,x,y,z) -> voxel row index, IGNORE where empty
    # (equivalent to SparseTensor(arange - ignore).dense() + ignore).
    occ = jnp.full((B, G, G, G), IGNORE, dtype=jnp.int32)
    occ = occ.at[coords[:, 0], c_xyz[:, 0], c_xyz[:, 1], c_xyz[:, 2]].set(
        jnp.arange(V, dtype=jnp.int32))
    # Trilinear interpolation over the 8 surrounding voxels.
    x0 = jnp.floor(q_xyz).astype(jnp.int32)
    frac = q_xyz - x0.astype(q_xyz.dtype)
    query_features = jnp.zeros((Q, F), dtype=jnp.float32)
    accum = jnp.zeros((V,), dtype=jnp.float32)
    idx_list = []
    w_list = []
    for dx in (0, 1):
        for dy in (0, 1):
            for dz in (0, 1):
                cx = x0[:, 0] + dx
                cy = x0[:, 1] + dy
                cz = x0[:, 2] + dz
                inb = (cx >= 0) & (cx < G) & (cy >= 0) & (cy < G) & (cz >= 0) & (cz < G)
                cxc = jnp.clip(cx, 0, G - 1)
                cyc = jnp.clip(cy, 0, G - 1)
                czc = jnp.clip(cz, 0, G - 1)
                vidx = occ[q_b, cxc, cyc, czc]
                vidx = jnp.where(inb, vidx, IGNORE)
                wx = frac[:, 0] if dx == 1 else 1.0 - frac[:, 0]
                wy = frac[:, 1] if dy == 1 else 1.0 - frac[:, 1]
                wz = frac[:, 2] if dz == 1 else 1.0 - frac[:, 2]
                w = wx * wy * wz
                valid = vidx >= 0
                w_eff = jnp.where(valid, w, 0.0).astype(jnp.float32)
                safe = jnp.where(valid, vidx, 0)
                query_features = query_features + w_eff[:, None] * jnp.take(features, safe, axis=0)
                accum = accum.at[safe].add(w_eff)
                idx_list.append(jnp.where(valid, vidx, IGNORE))
                w_list.append(w_eff)
    interpolation_indices = jnp.stack(idx_list, axis=1)
    interpolation_weights = jnp.stack(w_list, axis=1)
    return (query_features, interpolation_indices, interpolation_weights, accum)

if __name__ == "__main__":
    import jax
    _d = setup_inputs()
    print(jax.jit(kernel)(*tuple(_d.values())))

</pallas_src>

<mosaic_0001>
#map = affine_map<(d0, d1) -> (0, 0)>
#map1 = affine_map<(d0, d1) -> (0, 0, 0)>
#map2 = affine_map<(d0, d1) -> (0)>
module attributes {stable_mosaic.version = 14 : i64} {
  func.func @_body(%arg0: i32, %arg1: i32, %arg2: memref<110592x16xi32, #tpu.memory_space<hbm>>, %arg3: memref<1568x4x128xf32, #tpu.memory_space<hbm>>, %arg4: memref<100000x32xf32, #tpu.memory_space<hbm>>, %arg5: memref<100000xf32, #tpu.memory_space<hbm>>, %arg6: memref<200704x32xf32, #tpu.memory_space<hbm>>, %arg7: memref<1568x1024xi32, #tpu.memory_space<hbm>>, %arg8: memref<1568x1024xf32, #tpu.memory_space<hbm>>, %arg9: memref<2x100000xf32, #tpu.memory_space<hbm>>, %arg10: memref<100000xf32, #tpu.memory_space<vmem_shared>>, %arg11: memref<4x128xf32, #tpu.memory_space<vmem>>, %arg12: memref<1024xi32, #tpu.memory_space<vmem>>, %arg13: memref<1024xi32, #tpu.memory_space<vmem>>, %arg14: memref<1024xi32, #tpu.memory_space<vmem>>, %arg15: memref<1024xf32, #tpu.memory_space<vmem>>, %arg16: memref<1024xi32, #tpu.memory_space<vmem>>, %arg17: memref<1024xf32, #tpu.memory_space<vmem>>, %arg18: memref<1024xi32, #tpu.memory_space<vmem>>, %arg19: memref<1024x16xi32, #tpu.memory_space<vmem>>, %arg20: memref<1024x32xf32, #tpu.memory_space<vmem>>, %arg21: memref<128x32xf32, #tpu.memory_space<vmem>>, %arg22: memref<!tpu.dma_semaphore, #tpu.memory_space<semaphore_mem>>, %arg23: memref<!tpu.dma_semaphore, #tpu.memory_space<semaphore_mem>>, %arg24: memref<!tpu.dma_semaphore, #tpu.memory_space<semaphore_mem>>) attributes {dimension_semantics = [#tpu.dimension_semantics<core_parallel>, #tpu.dimension_semantics<subcore_parallel>], iteration_bounds = array<i64: 2, 16>, scalar_prefetch = 0 : i64, scratch_operands = 15 : i64, tpu.core_type = #tpu.core_type<sc_vector_subcore>, window_params = [{transform_indices = #map}, {transform_indices = #map1}, {transform_indices = #map}, {transform_indices = #map2}, {transform_indices = #map}, {transform_indices = #map}, {transform_indices = #map}, {transform_indices = #map}]} {
    %mul3A = arith.constant 2 : i32
    %mul3A_0 = arith.muli %arg1, %mul3A : i32
    %add3A = arith.addi %mul3A_0, %arg0 : i32
    %eq3A = arith.constant 0 : i32
    %eq3A_1 = arith.cmpi eq, %arg1, %eq3A : i32
    %convert_element_type3A = arith.extui %eq3A_1 : i1 to i32
    %cond3A = arith.constant 0 : i32
    %cond3A_2 = arith.cmpi ne, %convert_element_type3A, %cond3A : i32
    scf.if %cond3A_2 {
      "tpu.region"() ({
        %run_scoped3A = tpu.sem_alloc : memref<!tpu.dma_semaphore, #tpu.memory_space<semaphore_mem>>
        tpu.enqueue_dma source(%arg5 : memref<100000xf32, #tpu.memory_space<hbm>>) target(%arg10 : memref<100000xf32, #tpu.memory_space<vmem_shared>>) target_semaphore(%run_scoped3A : memref<!tpu.dma_semaphore, #tpu.memory_space<semaphore_mem>>)
        tpu.wait_dma2 semaphore(%run_scoped3A : memref<!tpu.dma_semaphore, #tpu.memory_space<semaphore_mem>>) src(%arg5 : memref<100000xf32, #tpu.memory_space<hbm>>) dst(%arg10 : memref<100000xf32, #tpu.memory_space<vmem_shared>>)
        tpu.yield
      }) : () -> ()
    } else {
    }
    %barrier3A = arith.constant 0 : index
    tpu.barrier barrier_id(%barrier3A)
    %scan3A = arith.constant 0 : i32
    %scan3A_3 = arith.constant 0 : i32
    %scan3A_4 = arith.constant 49 : i32
    %scan3A_5 = arith.addi %scan3A_3, %scan3A_4 : i32
    %scan3A_6 = arith.constant 1 : i32
    scf.for %scan3A_14 = %scan3A_3 to %scan3A_5 step %scan3A_6  : i32 {
      %mul3A_15 = arith.constant 49 : i32
      %mul3A_16 = arith.muli %add3A, %mul3A_15 : i32
      %add3A_17 = arith.addi %mul3A_16, %scan3A_14 : i32
      %mul3A_18 = arith.constant 128 : i32
      %mul3A_19 = arith.muli %add3A_17, %mul3A_18 : i32
      %dma_start3A = arith.constant 0 : i32
      %dma_start3A_20 = arith.constant 0 : i32
      %dma_start3A_21 = tpu.memref_slice %arg3[%add3A_17, %dma_start3A, %dma_start3A_20] : memref<1568x4x128xf32, #tpu.memory_space<hbm>> -> memref<1x4x128xf32, #tpu.memory_space<hbm>>
      %dma_start3A_22 = tpu.memref_squeeze %dma_start3A_21 : memref<1x4x128xf32, #tpu.memory_space<hbm>> -> memref<4x128xf32, #tpu.memory_space<hbm>>
      %dma_start3A_23 = arith.constant 0 : i32
      %dma_start3A_24 = arith.constant 0 : i32
      %dma_start3A_25 = tpu.memref_slice %arg3[%add3A_17, %dma_start3A_23, %dma_start3A_24] : memref<1568x4x128xf32, #tpu.memory_space<hbm>> -> memref<1x4x128xf32, #tpu.memory_space<hbm>>
      %dma_start3A_26 = tpu.memref_squeeze %dma_start3A_25 : memref<1x4x128xf32, #tpu.memory_space<hbm>> -> memref<4x128xf32, #tpu.memory_space<hbm>>
      tpu.enqueue_dma source(%dma_start3A_26 : memref<4x128xf32, #tpu.memory_space<hbm>>) target(%arg11 : memref<4x128xf32, #tpu.memory_space<vmem>>) target_semaphore(%arg22 : memref<!tpu.dma_semaphore, #tpu.memory_space<semaphore_mem>>)
      %dma_wait3A = arith.constant 0 : i32
      %dma_wait3A_27 = arith.constant 0 : i32
      %dma_wait3A_28 = tpu.memref_slice %arg3[%add3A_17, %dma_wait3A, %dma_wait3A_27] : memref<1568x4x128xf32, #tpu.memory_space<hbm>> -> memref<1x4x128xf32, #tpu.memory_space<hbm>>
      %dma_wait3A_29 = tpu.memref_squeeze %dma_wait3A_28 : memref<1x4x128xf32, #tpu.memory_space<hbm>> -> memref<4x128xf32, #tpu.memory_space<hbm>>
      %dma_wait3A_30 = arith.constant 0 : i32
      %dma_wait3A_31 = arith.constant 0 : i32
      %dma_wait3A_32 = tpu.memref_slice %arg3[%add3A_17, %dma_wait3A_30, %dma_wait3A_31] : memref<1568x4x128xf32, #tpu.memory_space<hbm>> -> memref<1x4x128xf32, #tpu.memory_space<hbm>>
      %dma_wait3A_33 = tpu.memref_squeeze %dma_wait3A_32 : memref<1x4x128xf32, #tpu.memory_space<hbm>> -> memref<4x128xf32, #tpu.memory_space<hbm>>
      tpu.wait_dma2 semaphore(%arg22 : memref<!tpu.dma_semaphore, #tpu.memory_space<semaphore_mem>>) src(%dma_wait3A_33 : memref<4x128xf32, #tpu.memory_space<hbm>>) dst(%arg11 : memref<4x128xf32, #tpu.memory_space<vmem>>)
      %scan3A_34 = arith.constant 0 : i32
      %scan3A_35 = arith.constant 0 : i32
      %scan3A_36 = arith.constant 8 : i32
      %scan3A_37 = arith.addi %scan3A_35, %scan3A_36 : i32
      %scan3A_38 = arith.constant 1 : i32
      scf.for %scan3A_95 = %scan3A_35 to %scan3A_37 step %scan3A_38  : i32 {
        %mul3A_96 = arith.constant 16 : i32
        %mul3A_97 = arith.muli %scan3A_95, %mul3A_96 : i32
        %get3A = arith.constant 0 : i32
        %get3A_98 = arith.index_cast %get3A : i32 to index
        %get3A_99 = arith.index_cast %mul3A_97 : i32 to index
        %get3A_100 = tpu.vector_load %arg11[%get3A_98, %get3A_99] {strides = array<i32>} : memref<4x128xf32, #tpu.memory_space<vmem>>, vector<16xf32>,
        %convert_element_type3A_101 = arith.fptosi %get3A_100 : vector<16xf32> to vector<16xi32>
        %get3A_102 = arith.constant 1 : i32
        %get3A_103 = arith.index_cast %get3A_102 : i32 to index
        %get3A_104 = arith.index_cast %mul3A_97 : i32 to index
        %get3A_105 = tpu.vector_load %arg11[%get3A_103, %get3A_104] {strides = array<i32>} : memref<4x128xf32, #tpu.memory_space<vmem>>, vector<16xf32>,
        %get3A_106 = arith.constant 2 : i32
        %get3A_107 = arith.index_cast %get3A_106 : i32 to index
        %get3A_108 = arith.index_cast %mul3A_97 : i32 to index
        %get3A_109 = tpu.vector_load %arg11[%get3A_107, %get3A_108] {strides = array<i32>} : memref<4x128xf32, #tpu.memory_space<vmem>>, vector<16xf32>,
        %get3A_110 = arith.constant 3 : i32
        %get3A_111 = arith.index_cast %get3A_110 : i32 to index
        %get3A_112 = arith.index_cast %mul3A_97 : i32 to index
        %get3A_113 = tpu.vector_load %arg11[%get3A_111, %get3A_112] {strides = array<i32>} : memref<4x128xf32, #tpu.memory_space<vmem>>, vector<16xf32>,
        %convert_element_type3A_114 = arith.fptosi %get3A_105 : vector<16xf32> to vector<16xi32>
        %convert_element_type3A_115 = arith.sitofp %convert_element_type3A_114 : vector<16xi32> to vector<16xf32>
        %gt3A = arith.cmpf ogt, %convert_element_type3A_115, %get3A_105 : vector<16xf32>
        %sub3A = arith.constant 1 : i32
        %sub3A_116 = vector.broadcast %sub3A : i32 to vector<16xi32>
        %sub3A_117 = arith.subi %convert_element_type3A_114, %sub3A_116 : vector<16xi32>
        %select_n3A = arith.select %gt3A, %sub3A_117, %convert_element_type3A_114 : vector<16xi1>, vector<16xi32>
        %convert_element_type3A_118 = arith.sitofp %select_n3A : vector<16xi32> to vector<16xf32>
        %sub3A_119 = arith.subf %get3A_105, %convert_element_type3A_118 : vector<16xf32>
        %convert_element_type3A_120 = arith.fptosi %get3A_109 : vector<16xf32> to vector<16xi32>
        %convert_element_type3A_121 = arith.sitofp %convert_element_type3A_120 : vector<16xi32> to vector<16xf32>
        %gt3A_122 = arith.cmpf ogt, %convert_element_type3A_121, %get3A_109 : vector<16xf32>
        %sub3A_123 = arith.constant 1 : i32
        %sub3A_124 = vector.broadcast %sub3A_123 : i32 to vector<16xi32>
        %sub3A_125 = arith.subi %convert_element_type3A_120, %sub3A_124 : vector<16xi32>
        %select_n3A_126 = arith.select %gt3A_122, %sub3A_125, %convert_element_type3A_120 : vector<16xi1>, vector<16xi32>
        %convert_element_type3A_127 = arith.sitofp %select_n3A_126 : vector<16xi32> to vector<16xf32>
        %sub3A_128 = arith.subf %get3A_109, %convert_element_type3A_127 : vector<16xf32>
        %convert_element_type3A_129 = arith.fptosi %get3A_113 : vector<16xf32> to vector<16xi32>
        %convert_element_type3A_130 = arith.sitofp %convert_element_type3A_129 : vector<16xi32> to vector<16xf32>
        %gt3A_131 = arith.cmpf ogt, %convert_element_type3A_130, %get3A_113 : vector<16xf32>
        %sub3A_132 = arith.constant 1 : i32
        %sub3A_133 = vector.broadcast %sub3A_132 : i32 to vector<16xi32>
        %sub3A_134 = arith.subi %convert_element_type3A_129, %sub3A_133 : vector<16xi32>
        %select_n3A_135 = arith.select %gt3A_131, %sub3A_134, %convert_element_type3A_129 : vector<16xi1>, vector<16xi32>
        %convert_element_type3A_136 = arith.sitofp %select_n3A_135 : vector<16xi32> to vector<16xf32>
        %sub3A_137 = arith.subf %get3A_113, %convert_element_type3A_136 : vector<16xf32>
        %mul3A_138 = arith.constant 884736 : i32
        %mul3A_139 = vector.broadcast %mul3A_138 : i32 to vector<16xi32>
        %mul3A_140 = arith.muli %convert_element_type3A_101, %mul3A_139 : vector<16xi32>
        %add3A_141 = arith.constant 0 : i32
        %add3A_142 = vector.broadcast %add3A_141 : i32 to vector<16xi32>
        %add3A_143 = arith.addi %select_n3A, %add3A_142 : vector<16xi32>
        %add3A_144 = arith.constant 0 : i32
        %add3A_145 = vector.broadcast %add3A_144 : i32 to vector<16xi32>
        %add3A_146 = arith.addi %select_n3A_126, %add3A_145 : vector<16xi32>
        %add3A_147 = arith.constant 0 : i32
        %add3A_148 = vector.broadcast %add3A_147 : i32 to vector<16xi32>
        %add3A_149 = arith.addi %select_n3A_135, %add3A_148 : vector<16xi32>
        %ge3A = arith.constant 0 : i32
        %ge3A_150 = vector.broadcast %ge3A : i32 to vector<16xi32>
        %ge3A_151 = arith.cmpi sge, %add3A_143, %ge3A_150 : vector<16xi32>
        %lt3A = arith.constant 96 : i32
        %lt3A_152 = vector.broadcast %lt3A : i32 to vector<16xi32>
        %lt3A_153 = arith.cmpi slt, %add3A_143, %lt3A_152 : vector<16xi32>
        %and3A = arith.andi %ge3A_151, %lt3A_153 : vector<16xi1>
        %ge3A_154 = arith.constant 0 : i32
        %ge3A_155 = vector.broadcast %ge3A_154 : i32 to vector<16xi32>
        %ge3A_156 = arith.cmpi sge, %add3A_146, %ge3A_155 : vector<16xi32>
        %and3A_157 = arith.andi %and3A, %ge3A_156 : vector<16xi1>
        %lt3A_158 = arith.constant 96 : i32
        %lt3A_159 = vector.broadcast %lt3A_158 : i32 to vector<16xi32>
        %lt3A_160 = arith.cmpi slt, %add3A_146, %lt3A_159 : vector<16xi32>
        %and3A_161 = arith.andi %and3A_157, %lt3A_160 : vector<16xi1>
        %ge3A_162 = arith.constant 0 : i32
        %ge3A_163 = vector.broadcast %ge3A_162 : i32 to vector<16xi32>
        %ge3A_164 = arith.cmpi sge, %add3A_149, %ge3A_163 : vector<16xi32>
        %and3A_165 = arith.andi %and3A_161, %ge3A_164 : vector<16xi1>
        %lt3A_166 = arith.constant 96 : i32
        %lt3A_167 = vector.broadcast %lt3A_166 : i32 to vector<16xi32>
        %lt3A_168 = arith.cmpi slt, %add3A_149, %lt3A_167 : vector<16xi32>
        %and3A_169 = arith.andi %and3A_165, %lt3A_168 : vector<16xi1>
        %max3A = arith.constant 0 : i32
        %max3A_170 = vector.broadcast %max3A : i32 to vector<16xi32>
        %max3A_171 = arith.maxsi %add3A_143, %max3A_170 : vector<16xi32>
        %min3A = arith.constant 95 : i32
        %min3A_172 = vector.broadcast %min3A : i32 to vector<16xi32>
        %min3A_173 = arith.minsi %max3A_171, %min3A_172 : vector<16xi32>
        %max3A_174 = arith.constant 0 : i32
        %max3A_175 = vector.broadcast %max3A_174 : i32 to vector<16xi32>
        %max3A_176 = arith.maxsi %add3A_146, %max3A_175 : vector<16xi32>
        %min3A_177 = arith.constant 95 : i32
        %min3A_178 = vector.broadcast %min3A_177 : i32 to vector<16xi32>
        %min3A_179 = arith.minsi %max3A_176, %min3A_178 : vector<16xi32>
        %max3A_180 = arith.constant 0 : i32
        %max3A_181 = vector.broadcast %max3A_180 : i32 to vector<16xi32>
        %max3A_182 = arith.maxsi %add3A_149, %max3A_181 : vector<16xi32>
        %min3A_183 = arith.constant 95 : i32
        %min3A_184 = vector.broadcast %min3A_183 : i32 to vector<16xi32>
        %min3A_185 = arith.minsi %max3A_182, %min3A_184 : vector<16xi32>
        %mul3A_186 = arith.constant 96 : i32
        %mul3A_187 = vector.broadcast %mul3A_186 : i32 to vector<16xi32>
        %mul3A_188 = arith.muli %min3A_173, %mul3A_187 : vector<16xi32>
        %add3A_189 = arith.addi %mul3A_188, %min3A_179 : vector<16xi32>
        %mul3A_190 = arith.constant 96 : i32
        %mul3A_191 = vector.broadcast %mul3A_190 : i32 to vector<16xi32>
        %mul3A_192 = arith.muli %add3A_189, %mul3A_191 : vector<16xi32>
        %add3A_193 = arith.addi %mul3A_140, %mul3A_192 : vector<16xi32>
        %add3A_194 = arith.addi %add3A_193, %min3A_185 : vector<16xi32>
        %sub3A_195 = arith.constant 1.000000e+00 : f32
        %sub3A_196 = vector.broadcast %sub3A_195 : f32 to vector<16xf32>
        %sub3A_197 = arith.subf %sub3A_196, %sub3A_119 : vector<16xf32>
        %sub3A_198 = arith.constant 1.000000e+00 : f32
        %sub3A_199 = vector.broadcast %sub3A_198 : f32 to vector<16xf32>
        %sub3A_200 = arith.subf %sub3A_199, %sub3A_128 : vector<16xf32>
        %sub3A_201 = arith.constant 1.000000e+00 : f32
        %sub3A_202 = vector.broadcast %sub3A_201 : f32 to vector<16xf32>
        %sub3A_203 = arith.subf %sub3A_202, %sub3A_137 : vector<16xf32>
        %mul3A_204 = arith.constant 16 : i32
        %mul3A_205 = arith.muli %scan3A_95, %mul3A_204 : i32
        %add3A_206 = arith.constant 0 : i32
        %add3A_207 = arith.addi %add3A_206, %mul3A_205 : i32
        %shift_right_logical3A = arith.constant 4 : i32
        %shift_right_logical3A_208 = vector.broadcast %shift_right_logical3A : i32 to vector<16xi32>
        %shift_right_logical3A_209 = arith.shrui %add3A_194, %shift_right_logical3A_208 : vector<16xi32>
        %swap3A = arith.index_cast %add3A_207 : i32 to index
        %swap3A_210 = tpu.vector_load %arg12[%swap3A] {strides = array<i32>} : memref<1024xi32, #tpu.memory_space<vmem>>, vector<16xi32>,
        tpu.vector_store %arg12[%swap3A], %shift_right_logical3A_209 {strides = array<i32>} : memref<1024xi32, #tpu.memory_space<vmem>>, vector<16xi32>,
        %and3A_211 = arith.constant 15 : i32
        %and3A_212 = vector.broadcast %and3A_211 : i32 to vector<16xi32>
        %and3A_213 = arith.andi %add3A_194, %and3A_212 : vector<16xi32>
        %swap3A_214 = arith.index_cast %add3A_207 : i32 to index
        %swap3A_215 = tpu.vector_load %arg13[%swap3A_214] {strides = array<i32>} : memref<1024xi32, #tpu.memory_space<vmem>>, vector<16xi32>,
        tpu.vector_store %arg13[%swap3A_214], %and3A_213 {strides = array<i32>} : memref<1024xi32, #tpu.memory_space<vmem>>, vector<16xi32>,
        %jit3A = arith.constant 1 : i32
        %jit3A_216 = arith.constant 0 : i32
        %broadcast_in_dim3A = vector.broadcast %jit3A : i32 to vector<16xi32>
        %broadcast_in_dim3A_217 = vector.broadcast %jit3A_216 : i32 to vector<16xi32>
        %select_n3A_218 = arith.select %and3A_169, %broadcast_in_dim3A, %broadcast_in_dim3A_217 : vector<16xi1>, vector<16xi32>
        %swap3A_219 = arith.index_cast %add3A_207 : i32 to index
        %swap3A_220 = tpu.vector_load %arg14[%swap3A_219] {strides = array<i32>} : memref<1024xi32, #tpu.memory_space<vmem>>, vector<16xi32>,
        tpu.vector_store %arg14[%swap3A_219], %select_n3A_218 {strides = array<i32>} : memref<1024xi32, #tpu.memory_space<vmem>>, vector<16xi32>,
        %mul3A_221 = arith.mulf %sub3A_197, %sub3A_200 : vector<16xf32>
        %mul3A_222 = arith.mulf %mul3A_221, %sub3A_203 : vector<16xf32>
        %swap3A_223 = arith.index_cast %add3A_207 : i32 to index
        %swap3A_224 = tpu.vector_load %arg15[%swap3A_223] {strides = array<i32>} : memref<1024xf32, #tpu.memory_space<vmem>>, vector<16xf32>,
        tpu.vector_store %arg15[%swap3A_223], %mul3A_222 {strides = array<i32>} : memref<1024xf32, #tpu.memory_space<vmem>>, vector<16xf32>,
        %add3A_225 = arith.constant 0 : i32
        %add3A_226 = vector.broadcast %add3A_225 : i32 to vector<16xi32>
        %add3A_227 = arith.addi %select_n3A, %add3A_226 : vector<16xi32>
        %add3A_228 = arith.constant 0 : i32
        %add3A_229 = vector.broadcast %add3A_228 : i32 to vector<16xi32>
        %add3A_230 = arith.addi %select_n3A_126, %add3A_229 : vector<16xi32>
        %add3A_231 = arith.constant 1 : i32
        %add3A_232 = vector.broadcast %add3A_231 : i32 to vector<16xi32>
        %add3A_233 = arith.addi %select_n3A_135, %add3A_232 : vector<16xi32>
        %ge3A_234 = arith.constant 0 : i32
        %ge3A_235 = vector.broadcast %ge3A_234 : i32 to vector<16xi32>
        %ge3A_236 = arith.cmpi sge, %add3A_227, %ge3A_235 : vector<16xi32>
        %lt3A_237 = arith.constant 96 : i32
        %lt3A_238 = vector.broadcast %lt3A_237 : i32 to vector<16xi32>
        %lt3A_239 = arith.cmpi slt, %add3A_227, %lt3A_238 : vector<16xi32>
        %and3A_240 = arith.andi %ge3A_236, %lt3A_239 : vector<16xi1>
        %ge3A_241 = arith.constant 0 : i32
        %ge3A_242 = vector.broadcast %ge3A_241 : i32 to vector<16xi32>
        %ge3A_243 = arith.cmpi sge, %add3A_230, %ge3A_242 : vector<16xi32>
        %and3A_244 = arith.andi %and3A_240, %ge3A_243 : vector<16xi1>
        %lt3A_245 = arith.constant 96 : i32
        %lt3A_246 = vector.broadcast %lt3A_245 : i32 to vector<16xi32>
        %lt3A_247 = arith.cmpi slt, %add3A_230, %lt3A_246 : vector<16xi32>
        %and3A_248 = arith.andi %and3A_244, %lt3A_247 : vector<16xi1>
        %ge3A_249 = arith.constant 0 : i32
        %ge3A_250 = vector.broadcast %ge3A_249 : i32 to vector<16xi32>
        %ge3A_251 = arith.cmpi sge, %add3A_233, %ge3A_250 : vector<16xi32>
        %and3A_252 = arith.andi %and3A_248, %ge3A_251 : vector<16xi1>
        %lt3A_253 = arith.constant 96 : i32
        %lt3A_254 = vector.broadcast %lt3A_253 : i32 to vector<16xi32>
        %lt3A_255 = arith.cmpi slt, %add3A_233, %lt3A_254 : vector<16xi32>
        %and3A_256 = arith.andi %and3A_252, %lt3A_255 : vector<16xi1>
        %max3A_257 = arith.constant 0 : i32
        %max3A_258 = vector.broadcast %max3A_257 : i32 to vector<16xi32>
        %max3A_259 = arith.maxsi %add3A_227, %max3A_258 : vector<16xi32>
        %min3A_260 = arith.constant 95 : i32
        %min3A_261 = vector.broadcast %min3A_260 : i32 to vector<16xi32>
        %min3A_262 = arith.minsi %max3A_259, %min3A_261 : vector<16xi32>
        %max3A_263 = arith.constant 0 : i32
        %max3A_264 = vector.broadcast %max3A_263 : i32 to vector<16xi32>
        %max3A_265 = arith.maxsi %add3A_230, %max3A_264 : vector<16xi32>
        %min3A_266 = arith.constant 95 : i32
        %min3A_267 = vector.broadcast %min3A_266 : i32 to vector<16xi32>
        %min3A_268 = arith.minsi %max3A_265, %min3A_267 : vector<16xi32>
        %max3A_269 = arith.constant 0 : i32
        %max3A_270 = vector.broadcast %max3A_269 : i32 to vector<16xi32>
        %max3A_271 = arith.maxsi %add3A_233, %max3A_270 : vector<16xi32>
        %min3A_272 = arith.constant 95 : i32
        %min3A_273 = vector.broadcast %min3A_272 : i32 to vector<16xi32>
        %min3A_274 = arith.minsi %max3A_271, %min3A_273 : vector<16xi32>
        %mul3A_275 = arith.constant 96 : i32
        %mul3A_276 = vector.broadcast %mul3A_275 : i32 to vector<16xi32>
        %mul3A_277 = arith.muli %min3A_262, %mul3A_276 : vector<16xi32>
        %add3A_278 = arith.addi %mul3A_277, %min3A_268 : vector<16xi32>
        %mul3A_279 = arith.constant 96 : i32
        %mul3A_280 = vector.broadcast %mul3A_279 : i32 to vector<16xi32>
        %mul3A_281 = arith.muli %add3A_278, %mul3A_280 : vector<16xi32>
        %add3A_282 = arith.addi %mul3A_140, %mul3A_281 : vector<16xi32>
        %add3A_283 = arith.addi %add3A_282, %min3A_274 : vector<16xi32>
        %sub3A_284 = arith.constant 1.000000e+00 : f32
        %sub3A_285 = vector.broadcast %sub3A_284 : f32 to vector<16xf32>
        %sub3A_286 = arith.subf %sub3A_285, %sub3A_119 : vector<16xf32>
        %sub3A_287 = arith.constant 1.000000e+00 : f32
        %sub3A_288 = vector.broadcast %sub3A_287 : f32 to vector<16xf32>
        %sub3A_289 = arith.subf %sub3A_288, %sub3A_128 : vector<16xf32>
        %mul3A_290 = arith.constant 16 : i32
        %mul3A_291 = arith.muli %scan3A_95, %mul3A_290 : i32
        %add3A_292 = arith.constant 128 : i32
        %add3A_293 = arith.addi %add3A_292, %mul3A_291 : i32
        %shift_right_logical3A_294 = arith.constant 4 : i32
        %shift_right_logical3A_295 = vector.broadcast %shift_right_logical3A_294 : i32 to vector<16xi32>
        %shift_right_logical3A_296 = arith.shrui %add3A_283, %shift_right_logical3A_295 : vector<16xi32>
        %swap3A_297 = arith.index_cast %add3A_293 : i32 to index
        %swap3A_298 = tpu.vector_load %arg12[%swap3A_297] {strides = array<i32>} : memref<1024xi32, #tpu.memory_space<vmem>>, vector<16xi32>,
        tpu.vector_store %arg12[%swap3A_297], %shift_right_logical3A_296 {strides = array<i32>} : memref<1024xi32, #tpu.memory_space<vmem>>, vector<16xi32>,
        %and3A_299 = arith.constant 15 : i32
        %and3A_300 = vector.broadcast %and3A_299 : i32 to vector<16xi32>
        %and3A_301 = arith.andi %add3A_283, %and3A_300 : vector<16xi32>
        %swap3A_302 = arith.index_cast %add3A_293 : i32 to index
        %swap3A_303 = tpu.vector_load %arg13[%swap3A_302] {strides = array<i32>} : memref<1024xi32, #tpu.memory_space<vmem>>, vector<16xi32>,
        tpu.vector_store %arg13[%swap3A_302], %and3A_301 {strides = array<i32>} : memref<1024xi32, #tpu.memory_space<vmem>>, vector<16xi32>,
        %jit3A_304 = arith.constant 1 : i32
        %jit3A_305 = arith.constant 0 : i32
        %broadcast_in_dim3A_306 = vector.broadcast %jit3A_304 : i32 to vector<16xi32>
        %broadcast_in_dim3A_307 = vector.broadcast %jit3A_305 : i32 to vector<16xi32>
        %select_n3A_308 = arith.select %and3A_256, %broadcast_in_dim3A_306, %broadcast_in_dim3A_307 : vector<16xi1>, vector<16xi32>
        %swap3A_309 = arith.index_cast %add3A_293 : i32 to index
        %swap3A_310 = tpu.vector_load %arg14[%swap3A_309] {strides = array<i32>} : memref<1024xi32, #tpu.memory_space<vmem>>, vector<16xi32>,
        tpu.vector_store %arg14[%swap3A_309], %select_n3A_308 {strides = array<i32>} : memref<1024xi32, #tpu.memory_space<vmem>>, vector<16xi32>,
        %mul3A_311 = arith.mulf %sub3A_286, %sub3A_289 : vector<16xf32>
        %mul3A_312 = arith.mulf %mul3A_311, %sub3A_137 : vector<16xf32>
        %swap3A_313 = arith.index_cast %add3A_293 : i32 to index
        %swap3A_314 = tpu.vector_load %arg15[%swap3A_313] {strides = array<i32>} : memref<1024xf32, #tpu.memory_space<vmem>>, vector<16xf32>,
        tpu.vector_store %arg15[%swap3A_313], %mul3A_312 {strides = array<i32>} : memref<1024xf32, #tpu.memory_space<vmem>>, vector<16xf32>,
        %add3A_315 = arith.constant 0 : i32
        %add3A_316 = vector.broadcast %add3A_315 : i32 to vector<16xi32>
        %add3A_317 = arith.addi %select_n3A, %add3A_316 : vector<16xi32>
        %add3A_318 = arith.constant 1 : i32
        %add3A_319 = vector.broadcast %add3A_318 : i32 to vector<16xi32>
        %add3A_320 = arith.addi %select_n3A_126, %add3A_319 : vector<16xi32>
        %add3A_321 = arith.constant 0 : i32
        %add3A_322 = vector.broadcast %add3A_321 : i32 to vector<16xi32>
        %add3A_323 = arith.addi %select_n3A_135, %add3A_322 : vector<16xi32>
        %ge3A_324 = arith.constant 0 : i32
        %ge3A_325 = vector.broadcast %ge3A_324 : i32 to vector<16xi32>
        %ge3A_326 = arith.cmpi sge, %add3A_317, %ge3A_325 : vector<16xi32>
        %lt3A_327 = arith.constant 96 : i32
        %lt3A_328 = vector.broadcast %lt3A_327 : i32 to vector<16xi32>
        %lt3A_329 = arith.cmpi slt, %add3A_317, %lt3A_328 : vector<16xi32>
        %and3A_330 = arith.andi %ge3A_326, %lt3A_329 : vector<16xi1>
        %ge3A_331 = arith.constant 0 : i32
        %ge3A_332 = vector.broadcast %ge3A_331 : i32 to vector<16xi32>
        %ge3A_333 = arith.cmpi sge, %add3A_320, %ge3A_332 : vector<16xi32>
        %and3A_334 = arith.andi %and3A_330, %ge3A_333 : vector<16xi1>
        %lt3A_335 = arith.constant 96 : i32
        %lt3A_336 = vector.broadcast %lt3A_335 : i32 to vector<16xi32>
        %lt3A_337 = arith.cmpi slt, %add3A_320, %lt3A_336 : vector<16xi32>
        %and3A_338 = arith.andi %and3A_334, %lt3A_337 : vector<16xi1>
        %ge3A_339 = arith.constant 0 : i32
        %ge3A_340 = vector.broadcast %ge3A_339 : i32 to vector<16xi32>
        %ge3A_341 = arith.cmpi sge, %add3A_323, %ge3A_340 : vector<16xi32>
        %and3A_342 = arith.andi %and3A_338, %ge3A_341 : vector<16xi1>
        %lt3A_343 = arith.constant 96 : i32
        %lt3A_344 = vector.broadcast %lt3A_343 : i32 to vector<16xi32>
        %lt3A_345 = arith.cmpi slt, %add3A_323, %lt3A_344 : vector<16xi32>
        %and3A_346 = arith.andi %and3A_342, %lt3A_345 : vector<16xi1>
        %max3A_347 = arith.constant 0 : i32
        %max3A_348 = vector.broadcast %max3A_347 : i32 to vector<16xi32>
        %max3A_349 = arith.maxsi %add3A_317, %max3A_348 : vector<16xi32>
        %min3A_350 = arith.constant 95 : i32
        %min3A_351 = vector.broadcast %min3A_350 : i32 to vector<16xi32>
        %min3A_352 = arith.minsi %max3A_349, %min3A_351 : vector<16xi32>
        %max3A_353 = arith.constant 0 : i32
        %max3A_354 = vector.broadcast %max3A_353 : i32 to vector<16xi32>
        %max3A_355 = arith.maxsi %add3A_320, %max3A_354 : vector<16xi32>
        %min3A_356 = arith.constant 95 : i32
        %min3A_357 = vector.broadcast %min3A_356 : i32 to vector<16xi32>
        %min3A_358 = arith.minsi %max3A_355, %min3A_357 : vector<16xi32>
        %max3A_359 = arith.constant 0 : i32
        %max3A_360 = vector.broadcast %max3A_359 : i32 to vector<16xi32>
        %max3A_361 = arith.maxsi %add3A_323, %max3A_360 : vector<16xi32>
        %min3A_362 = arith.constant 95 : i32
        %min3A_363 = vector.broadcast %min3A_362 : i32 to vector<16xi32>
        %min3A_364 = arith.minsi %max3A_361, %min3A_363 : vector<16xi32>
        %mul3A_365 = arith.constant 96 : i32
        %mul3A_366 = vector.broadcast %mul3A_365 : i32 to vector<16xi32>
        %mul3A_367 = arith.muli %min3A_352, %mul3A_366 : vector<16xi32>
        %add3A_368 = arith.addi %mul3A_367, %min3A_358 : vector<16xi32>
        %mul3A_369 = arith.constant 96 : i32
        %mul3A_370 = vector.broadcast %mul3A_369 : i32 to vector<16xi32>
        %mul3A_371 = arith.muli %add3A_368, %mul3A_370 : vector<16xi32>
        %add3A_372 = arith.addi %mul3A_140, %mul3A_371 : vector<16xi32>
        %add3A_373 = arith.addi %add3A_372, %min3A_364 : vector<16xi32>
        %sub3A_374 = arith.constant 1.000000e+00 : f32
        %sub3A_375 = vector.broadcast %sub3A_374 : f32 to vector<16xf32>
        %sub3A_376 = arith.subf %sub3A_375, %sub3A_119 : vector<16xf32>
        %sub3A_377 = arith.constant 1.000000e+00 : f32
        %sub3A_378 = vector.broadcast %sub3A_377 : f32 to vector<16xf32>
        %sub3A_379 = arith.subf %sub3A_378, %sub3A_137 : vector<16xf32>
        %mul3A_380 = arith.constant 16 : i32
        %mul3A_381 = arith.muli %scan3A_95, %mul3A_380 : i32
        %add3A_382 = arith.constant 256 : i32
        %add3A_383 = arith.addi %add3A_382, %mul3A_381 : i32
        %shift_right_logical3A_384 = arith.constant 4 : i32
        %shift_right_logical3A_385 = vector.broadcast %shift_right_logical3A_384 : i32 to vector<16xi32>
        %shift_right_logical3A_386 = arith.shrui %add3A_373, %shift_right_logical3A_385 : vector<16xi32>
        %swap3A_387 = arith.index_cast %add3A_383 : i32 to index
        %swap3A_388 = tpu.vector_load %arg12[%swap3A_387] {strides = array<i32>} : memref<1024xi32, #tpu.memory_space<vmem>>, vector<16xi32>,
        tpu.vector_store %arg12[%swap3A_387], %shift_right_logical3A_386 {strides = array<i32>} : memref<1024xi32, #tpu.memory_space<vmem>>, vector<16xi32>,
        %and3A_389 = arith.constant 15 : i32
        %and3A_390 = vector.broadcast %and3A_389 : i32 to vector<16xi32>
        %and3A_391 = arith.andi %add3A_373, %and3A_390 : vector<16xi32>
        %swap3A_392 = arith.index_cast %add3A_383 : i32 to index
        %swap3A_393 = tpu.vector_load %arg13[%swap3A_392] {strides = array<i32>} : memref<1024xi32, #tpu.memory_space<vmem>>, vector<16xi32>,
        tpu.vector_store %arg13[%swap3A_392], %and3A_391 {strides = array<i32>} : memref<1024xi32, #tpu.memory_space<vmem>>, vector<16xi32>,
        %jit3A_394 = arith.constant 1 : i32
        %jit3A_395 = arith.constant 0 : i32
        %broadcast_in_dim3A_396 = vector.broadcast %jit3A_394 : i32 to vector<16xi32>
        %broadcast_in_dim3A_397 = vector.broadcast %jit3A_395 : i32 to vector<16xi32>
        %select_n3A_398 = arith.select %and3A_346, %broadcast_in_dim3A_396, %broadcast_in_dim3A_397 : vector<16xi1>, vector<16xi32>
        %swap3A_399 = arith.index_cast %add3A_383 : i32 to index
        %swap3A_400 = tpu.vector_load %arg14[%swap3A_399] {strides = array<i32>} : memref<1024xi32, #tpu.memory_space<vmem>>, vector<16xi32>,
        tpu.vector_store %arg14[%swap3A_399], %select_n3A_398 {strides = array<i32>} : memref<1024xi32, #tpu.memory_space<vmem>>, vector<16xi32>,
        %mul3A_401 = arith.mulf %sub3A_376, %sub3A_128 : vector<16xf32>
        %mul3A_402 = arith.mulf %mul3A_401, %sub3A_379 : vector<16xf32>
        %swap3A_403 = arith.index_cast %add3A_383 : i32 to index
        %swap3A_404 = tpu.vector_load %arg15[%swap3A_403] {strides = array<i32>} : memref<1024xf32, #tpu.memory_space<vmem>>, vector<16xf32>,
        tpu.vector_store %arg15[%swap3A_403], %mul3A_402 {strides = array<i32>} : memref<1024xf32, #tpu.memory_space<vmem>>, vector<16xf32>,
        %add3A_405 = arith.constant 0 : i32
        %add3A_406 = vector.broadcast %add3A_405 : i32 to vector<16xi32>
        %add3A_407 = arith.addi %select_n3A, %add3A_406 : vector<16xi32>
        %add3A_408 = arith.constant 1 : i32
        %add3A_409 = vector.broadcast %add3A_408 : i32 to vector<16xi32>
        %add3A_410 = arith.addi %select_n3A_126, %add3A_409 : vector<16xi32>
        %add3A_411 = arith.constant 1 : i32
        %add3A_412 = vector.broadcast %add3A_411 : i32 to vector<16xi32>
        %add3A_413 = arith.addi %select_n3A_135, %add3A_412 : vector<16xi32>
        %ge3A_414 = arith.constant 0 : i32
        %ge3A_415 = vector.broadcast %ge3A_414 : i32 to vector<16xi32>
        %ge3A_416 = arith.cmpi sge, %add3A_407, %ge3A_415 : vector<16xi32>
        %lt3A_417 = arith.constant 96 : i32
        %lt3A_418 = vector.broadcast %lt3A_417 : i32 to vector<16xi32>
        %lt3A_419 = arith.cmpi slt, %add3A_407, %lt3A_418 : vector<16xi32>
        %and3A_420 = arith.andi %ge3A_416, %lt3A_419 : vector<16xi1>
        %ge3A_421 = arith.constant 0 : i32
        %ge3A_422 = vector.broadcast %ge3A_421 : i32 to vector<16xi32>
        %ge3A_423 = arith.cmpi sge, %add3A_410, %ge3A_422 : vector<16xi32>
        %and3A_424 = arith.andi %and3A_420, %ge3A_423 : vector<16xi1>
        %lt3A_425 = arith.constant 96 : i32
        %lt3A_426 = vector.broadcast %lt3A_425 : i32 to vector<16xi32>
        %lt3A_427 = arith.cmpi slt, %add3A_410, %lt3A_426 : vector<16xi32>
        %and3A_428 = arith.andi %and3A_424, %lt3A_427 : vector<16xi1>
        %ge3A_429 = arith.constant 0 : i32
        %ge3A_430 = vector.broadcast %ge3A_429 : i32 to vector<16xi32>
        %ge3A_431 = arith.cmpi sge, %add3A_413, %ge3A_430 : vector<16xi32>
        %and3A_432 = arith.andi %and3A_428, %ge3A_431 : vector<16xi1>
        %lt3A_433 = arith.constant 96 : i32
        %lt3A_434 = vector.broadcast %lt3A_433 : i32 to vector<16xi32>
        %lt3A_435 = arith.cmpi slt, %add3A_413, %lt3A_434 : vector<16xi32>
        %and3A_436 = arith.andi %and3A_432, %lt3A_435 : vector<16xi1>
        %max3A_437 = arith.constant 0 : i32
        %max3A_438 = vector.broadcast %max3A_437 : i32 to vector<16xi32>
        %max3A_439 = arith.maxsi %add3A_407, %max3A_438 : vector<16xi32>
        %min3A_440 = arith.constant 95 : i32
        %min3A_441 = vector.broadcast %min3A_440 : i32 to vector<16xi32>
        %min3A_442 = arith.minsi %max3A_439, %min3A_441 : vector<16xi32>
        %max3A_443 = arith.constant 0 : i32
        %max3A_444 = vector.broadcast %max3A_443 : i32 to vector<16xi32>
        %max3A_445 = arith.maxsi %add3A_410, %max3A_444 : vector<16xi32>
        %min3A_446 = arith.constant 95 : i32
        %min3A_447 = vector.broadcast %min3A_446 : i32 to vector<16xi32>
        %min3A_448 = arith.minsi %max3A_445, %min3A_447 : vector<16xi32>
        %max3A_449 = arith.constant 0 : i32
        %max3A_450 = vector.broadcast %max3A_449 : i32 to vector<16xi32>
        %max3A_451 = arith.maxsi %add3A_413, %max3A_450 : vector<16xi32>
        %min3A_452 = arith.constant 95 : i32
        %min3A_453 = vector.broadcast %min3A_452 : i32 to vector<16xi32>
        %min3A_454 = arith.minsi %max3A_451, %min3A_453 : vector<16xi32>
        %mul3A_455 = arith.constant 96 : i32
        %mul3A_456 = vector.broadcast %mul3A_455 : i32 to vector<16xi32>
        %mul3A_457 = arith.muli %min3A_442, %mul3A_456 : vector<16xi32>
        %add3A_458 = arith.addi %mul3A_457, %min3A_448 : vector<16xi32>
        %mul3A_459 = arith.constant 96 : i32
        %mul3A_460 = vector.broadcast %mul3A_459 : i32 to vector<16xi32>
        %mul3A_461 = arith.muli %add3A_458, %mul3A_460 : vector<16xi32>
        %add3A_462 = arith.addi %mul3A_140, %mul3A_461 : vector<16xi32>
        %add3A_463 = arith.addi %add3A_462, %min3A_454 : vector<16xi32>
        %sub3A_464 = arith.constant 1.000000e+00 : f32
        %sub3A_465 = vector.broadcast %sub3A_464 : f32 to vector<16xf32>
        %sub3A_466 = arith.subf %sub3A_465, %sub3A_119 : vector<16xf32>
        %mul3A_467 = arith.constant 16 : i32
        %mul3A_468 = arith.muli %scan3A_95, %mul3A_467 : i32
        %add3A_469 = arith.constant 384 : i32
        %add3A_470 = arith.addi %add3A_469, %mul3A_468 : i32
        %shift_right_logical3A_471 = arith.constant 4 : i32
        %shift_right_logical3A_472 = vector.broadcast %shift_right_logical3A_471 : i32 to vector<16xi32>
        %shift_right_logical3A_473 = arith.shrui %add3A_463, %shift_right_logical3A_472 : vector<16xi32>
        %swap3A_474 = arith.index_cast %add3A_470 : i32 to index
        %swap3A_475 = tpu.vector_load %arg12[%swap3A_474] {strides = array<i32>} : memref<1024xi32, #tpu.memory_space<vmem>>, vector<16xi32>,
        tpu.vector_store %arg12[%swap3A_474], %shift_right_logical3A_473 {strides = array<i32>} : memref<1024xi32, #tpu.memory_space<vmem>>, vector<16xi32>,
        %and3A_476 = arith.constant 15 : i32
        %and3A_477 = vector.broadcast %and3A_476 : i32 to vector<16xi32>
        %and3A_478 = arith.andi %add3A_463, %and3A_477 : vector<16xi32>
        %swap3A_479 = arith.index_cast %add3A_470 : i32 to index
        %swap3A_480 = tpu.vector_load %arg13[%swap3A_479] {strides = array<i32>} : memref<1024xi32, #tpu.memory_space<vmem>>, vector<16xi32>,
        tpu.vector_store %arg13[%swap3A_479], %and3A_478 {strides = array<i32>} : memref<1024xi32, #tpu.memory_space<vmem>>, vector<16xi32>,
        %jit3A_481 = arith.constant 1 : i32
        %jit3A_482 = arith.constant 0 : i32
        %broadcast_in_dim3A_483 = vector.broadcast %jit3A_481 : i32 to vector<16xi32>
        %broadcast_in_dim3A_484 = vector.broadcast %jit3A_482 : i32 to vector<16xi32>
        %select_n3A_485 = arith.select %and3A_436, %broadcast_in_dim3A_483, %broadcast_in_dim3A_484 : vector<16xi1>, vector<16xi32>
        %swap3A_486 = arith.index_cast %add3A_470 : i32 to index
        %swap3A_487 = tpu.vector_load %arg14[%swap3A_486] {strides = array<i32>} : memref<1024xi32, #tpu.memory_space<vmem>>, vector<16xi32>,
        tpu.vector_store %arg14[%swap3A_486], %select_n3A_485 {strides = array<i32>} : memref<1024xi32, #tpu.memory_space<vmem>>, vector<16xi32>,
        %mul3A_488 = arith.mulf %sub3A_466, %sub3A_128 : vector<16xf32>
        %mul3A_489 = arith.mulf %mul3A_488, %sub3A_137 : vector<16xf32>
        %swap3A_490 = arith.index_cast %add3A_470 : i32 to index
        %swap3A_491 = tpu.vector_load %arg15[%swap3A_490] {strides = array<i32>} : memref<1024xf32, #tpu.memory_space<vmem>>, vector<16xf32>,
        tpu.vector_store %arg15[%swap3A_490], %mul3A_489 {strides = array<i32>} : memref<1024xf32, #tpu.memory_space<vmem>>, vector<16xf32>,
        %add3A_492 = arith.constant 1 : i32
        %add3A_493 = vector.broadcast %add3A_492 : i32 to vector<16xi32>
        %add3A_494 = arith.addi %select_n3A, %add3A_493 : vector<16xi32>
        %add3A_495 = arith.constant 0 : i32
        %add3A_496 = vector.broadcast %add3A_495 : i32 to vector<16xi32>
        %add3A_497 = arith.addi %select_n3A_126, %add3A_496 : vector<16xi32>
        %add3A_498 = arith.constant 0 : i32
        %add3A_499 = vector.broadcast %add3A_498 : i32 to vector<16xi32>
        %add3A_500 = arith.addi %select_n3A_135, %add3A_499 : vector<16xi32>
        %ge3A_501 = arith.constant 0 : i32
        %ge3A_502 = vector.broadcast %ge3A_501 : i32 to vector<16xi32>
        %ge3A_503 = arith.cmpi sge, %add3A_494, %ge3A_502 : vector<16xi32>
        %lt3A_504 = arith.constant 96 : i32
        %lt3A_505 = vector.broadcast %lt3A_504 : i32 to vector<16xi32>
        %lt3A_506 = arith.cmpi slt, %add3A_494, %lt3A_505 : vector<16xi32>
        %and3A_507 = arith.andi %ge3A_503, %lt3A_506 : vector<16xi1>
        %ge3A_508 = arith.constant 0 : i32
        %ge3A_509 = vector.broadcast %ge3A_508 : i32 to vector<16xi32>
        %ge3A_510 = arith.cmpi sge, %add3A_497, %ge3A_509 : vector<16xi32>
        %and3A_511 = arith.andi %and3A_507, %ge3A_510 : vector<16xi1>
        %lt3A_512 = arith.constant 96 : i32
        %lt3A_513 = vector.broadcast %lt3A_512 : i32 to vector<16xi32>
        %lt3A_514 = arith.cmpi slt, %add3A_497, %lt3A_513 : vector<16xi32>
        %and3A_515 = arith.andi %and3A_511, %lt3A_514 : vector<16xi1>
        %ge3A_516 = arith.constant 0 : i32
        %ge3A_517 = vector.broadcast %ge3A_516 : i32 to vector<16xi32>
        %ge3A_518 = arith.cmpi sge, %add3A_500, %ge3A_517 : vector<16xi32>
        %and3A_519 = arith.andi %and3A_515, %ge3A_518 : vector<16xi1>
        %lt3A_520 = arith.constant 96 : i32
        %lt3A_521 = vector.broadcast %lt3A_520 : i32 to vector<16xi32>
        %lt3A_522 = arith.cmpi slt, %add3A_500, %lt3A_521 : vector<16xi32>
        %and3A_523 = arith.andi %and3A_519, %lt3A_522 : vector<16xi1>
        %max3A_524 = arith.constant 0 : i32
        %max3A_525 = vector.broadcast %max3A_524 : i32 to vector<16xi32>
        %max3A_526 = arith.maxsi %add3A_494, %max3A_525 : vector<16xi32>
        %min3A_527 = arith.constant 95 : i32
        %min3A_528 = vector.broadcast %min3A_527 : i32 to vector<16xi32>
        %min3A_529 = arith.minsi %max3A_526, %min3A_528 : vector<16xi32>
        %max3A_530 = arith.constant 0 : i32
        %max3A_531 = vector.broadcast %max3A_530 : i32 to vector<16xi32>
        %max3A_532 = arith.maxsi %add3A_497, %max3A_531 : vector<16xi32>
        %min3A_533 = arith.constant 95 : i32
        %min3A_534 = vector.broadcast %min3A_533 : i32 to vector<16xi32>
        %min3A_535 = arith.minsi %max3A_532, %min3A_534 : vector<16xi32>
        %max3A_536 = arith.constant 0 : i32
        %max3A_537 = vector.broadcast %max3A_536 : i32 to vector<16xi32>
        %max3A_538 = arith.maxsi %add3A_500, %max3A_537 : vector<16xi32>
        %min3A_539 = arith.constant 95 : i32
        %min3A_540 = vector.broadcast %min3A_539 : i32 to vector<16xi32>
        %min3A_541 = arith.minsi %max3A_538, %min3A_540 : vector<16xi32>
        %mul3A_542 = arith.constant 96 : i32
        %mul3A_543 = vector.broadcast %mul3A_542 : i32 to vector<16xi32>
        %mul3A_544 = arith.muli %min3A_529, %mul3A_543 : vector<16xi32>
        %add3A_545 = arith.addi %mul3A_544, %min3A_535 : vector<16xi32>
        %mul3A_546 = arith.constant 96 : i32
        %mul3A_547 = vector.broadcast %mul3A_546 : i32 to vector<16xi32>
        %mul3A_548 = arith.muli %add3A_545, %mul3A_547 : vector<16xi32>
        %add3A_549 = arith.addi %mul3A_140, %mul3A_548 : vector<16xi32>
        %add3A_550 = arith.addi %add3A_549, %min3A_541 : vector<16xi32>
        %sub3A_551 = arith.constant 1.000000e+00 : f32
        %sub3A_552 = vector.broadcast %sub3A_551 : f32 to vector<16xf32>
        %sub3A_553 = arith.subf %sub3A_552, %sub3A_128 : vector<16xf32>
        %sub3A_554 = arith.constant 1.000000e+00 : f32
        %sub3A_555 = vector.broadcast %sub3A_554 : f32 to vector<16xf32>
        %sub3A_556 = arith.subf %sub3A_555, %sub3A_137 : vector<16xf32>
        %mul3A_557 = arith.constant 16 : i32
        %mul3A_558 = arith.muli %scan3A_95, %mul3A_557 : i32
        %add3A_559 = arith.constant 512 : i32
        %add3A_560 = arith.addi %add3A_559, %mul3A_558 : i32
        %shift_right_logical3A_561 = arith.constant 4 : i32
        %shift_right_logical3A_562 = vector.broadcast %shift_right_logical3A_561 : i32 to vector<16xi32>
        %shift_right_logical3A_563 = arith.shrui %add3A_550, %shift_right_logical3A_562 : vector<16xi32>
        %swap3A_564 = arith.index_cast %add3A_560 : i32 to index
        %swap3A_565 = tpu.vector_load %arg12[%swap3A_564] {strides = array<i32>} : memref<1024xi32, #tpu.memory_space<vmem>>, vector<16xi32>,
        tpu.vector_store %arg12[%swap3A_564], %shift_right_logical3A_563 {strides = array<i32>} : memref<1024xi32, #tpu.memory_space<vmem>>, vector<16xi32>,
        %and3A_566 = arith.constant 15 : i32
        %and3A_567 = vector.broadcast %and3A_566 : i32 to vector<16xi32>
        %and3A_568 = arith.andi %add3A_550, %and3A_567 : vector<16xi32>
        %swap3A_569 = arith.index_cast %add3A_560 : i32 to index
        %swap3A_570 = tpu.vector_load %arg13[%swap3A_569] {strides = array<i32>} : memref<1024xi32, #tpu.memory_space<vmem>>, vector<16xi32>,
        tpu.vector_store %arg13[%swap3A_569], %and3A_568 {strides = array<i32>} : memref<1024xi32, #tpu.memory_space<vmem>>, vector<16xi32>,
        %jit3A_571 = arith.constant 1 : i32
        %jit3A_572 = arith.constant 0 : i32
        %broadcast_in_dim3A_573 = vector.broadcast %jit3A_571 : i32 to vector<16xi32>
        %broadcast_in_dim3A_574 = vector.broadcast %jit3A_572 : i32 to vector<16xi32>
        %select_n3A_575 = arith.select %and3A_523, %broadcast_in_dim3A_573, %broadcast_in_dim3A_574 : vector<16xi1>, vector<16xi32>
        %swap3A_576 = arith.index_cast %add3A_560 : i32 to index
        %swap3A_577 = tpu.vector_load %arg14[%swap3A_576] {strides = array<i32>} : memref<1024xi32, #tpu.memory_space<vmem>>, vector<16xi32>,
        tpu.vector_store %arg14[%swap3A_576], %select_n3A_575 {strides = array<i32>} : memref<1024xi32, #tpu.memory_space<vmem>>, vector<16xi32>,
        %mul3A_578 = arith.mulf %sub3A_119, %sub3A_553 : vector<16xf32>
        %mul3A_579 = arith.mulf %mul3A_578, %sub3A_556 : vector<16xf32>
        %swap3A_580 = arith.index_cast %add3A_560 : i32 to index
        %swap3A_581 = tpu.vector_load %arg15[%swap3A_580] {strides = array<i32>} : memref<1024xf32, #tpu.memory_space<vmem>>, vector<16xf32>,
        tpu.vector_store %arg15[%swap3A_580], %mul3A_579 {strides = array<i32>} : memref<1024xf32, #tpu.memory_space<vmem>>, vector<16xf32>,
        %add3A_582 = arith.constant 1 : i32
        %add3A_583 = vector.broadcast %add3A_582 : i32 to vector<16xi32>
        %add3A_584 = arith.addi %select_n3A, %add3A_583 : vector<16xi32>
        %add3A_585 = arith.constant 0 : i32
        %add3A_586 = vector.broadcast %add3A_585 : i32 to vector<16xi32>
        %add3A_587 = arith.addi %select_n3A_126, %add3A_586 : vector<16xi32>
        %add3A_588 = arith.constant 1 : i32
        %add3A_589 = vector.broadcast %add3A_588 : i32 to vector<16xi32>
        %add3A_590 = arith.addi %select_n3A_135, %add3A_589 : vector<16xi32>
        %ge3A_591 = arith.constant 0 : i32
        %ge3A_592 = vector.broadcast %ge3A_591 : i32 to vector<16xi32>
        %ge3A_593 = arith.cmpi sge, %add3A_584, %ge3A_592 : vector<16xi32>
        %lt3A_594 = arith.constant 96 : i32
        %lt3A_595 = vector.broadcast %lt3A_594 : i32 to vector<16xi32>
        %lt3A_596 = arith.cmpi slt, %add3A_584, %lt3A_595 : vector<16xi32>
        %and3A_597 = arith.andi %ge3A_593, %lt3A_596 : vector<16xi1>
        %ge3A_598 = arith.constant 0 : i32
        %ge3A_599 = vector.broadcast %ge3A_598 : i32 to vector<16xi32>
        %ge3A_600 = arith.cmpi sge, %add3A_587, %ge3A_599 : vector<16xi32>
        %and3A_601 = arith.andi %and3A_597, %ge3A_600 : vector<16xi1>
        %lt3A_602 = arith.constant 96 : i32
        %lt3A_603 = vector.broadcast %lt3A_602 : i32 to vector<16xi32>
        %lt3A_604 = arith.cmpi slt, %add3A_587, %lt3A_603 : vector<16xi32>
        %and3A_605 = arith.andi %and3A_601, %lt3A_604 : vector<16xi1>
        %ge3A_606 = arith.constant 0 : i32
        %ge3A_607 = vector.broadcast %ge3A_606 : i32 to vector<16xi32>
        %ge3A_608 = arith.cmpi sge, %add3A_590, %ge3A_607 : vector<16xi32>
        %and3A_609 = arith.andi %and3A_605, %ge3A_608 : vector<16xi1>
        %lt3A_610 = arith.constant 96 : i32
        %lt3A_611 = vector.broadcast %lt3A_610 : i32 to vector<16xi32>
        %lt3A_612 = arith.cmpi slt, %add3A_590, %lt3A_611 : vector<16xi32>
        %and3A_613 = arith.andi %and3A_609, %lt3A_612 : vector<16xi1>
        %max3A_614 = arith.constant 0 : i32
        %max3A_615 = vector.broadcast %max3A_614 : i32 to vector<16xi32>
        %max3A_616 = arith.maxsi %add3A_584, %max3A_615 : vector<16xi32>
        %min3A_617 = arith.constant 95 : i32
        %min3A_618 = vector.broadcast %min3A_617 : i32 to vector<16xi32>
        %min3A_619 = arith.minsi %max3A_616, %min3A_618 : vector<16xi32>
        %max3A_620 = arith.constant 0 : i32
        %max3A_621 = vector.broadcast %max3A_620 : i32 to vector<16xi32>
        %max3A_622 = arith.maxsi %add3A_587, %max3A_621 : vector<16xi32>
        %min3A_623 = arith.constant 95 : i32
        %min3A_624 = vector.broadcast %min3A_623 : i32 to vector<16xi32>
        %min3A_625 = arith.minsi %max3A_622, %min3A_624 : vector<16xi32>
        %max3A_626 = arith.constant 0 : i32
        %max3A_627 = vector.broadcast %max3A_626 : i32 to vector<16xi32>
        %max3A_628 = arith.maxsi %add3A_590, %max3A_627 : vector<16xi32>
        %min3A_629 = arith.constant 95 : i32
        %min3A_630 = vector.broadcast %min3A_629 : i32 to vector<16xi32>
        %min3A_631 = arith.minsi %max3A_628, %min3A_630 : vector<16xi32>
        %mul3A_632 = arith.constant 96 : i32
        %mul3A_633 = vector.broadcast %mul3A_632 : i32 to vector<16xi32>
        %mul3A_634 = arith.muli %min3A_619, %mul3A_633 : vector<16xi32>
        %add3A_635 = arith.addi %mul3A_634, %min3A_625 : vector<16xi32>
        %mul3A_636 = arith.constant 96 : i32
        %mul3A_637 = vector.broadcast %mul3A_636 : i32 to vector<16xi32>
        %mul3A_638 = arith.muli %add3A_635, %mul3A_637 : vector<16xi32>
        %add3A_639 = arith.addi %mul3A_140, %mul3A_638 : vector<16xi32>
        %add3A_640 = arith.addi %add3A_639, %min3A_631 : vector<16xi32>
        %sub3A_641 = arith.constant 1.000000e+00 : f32
        %sub3A_642 = vector.broadcast %sub3A_641 : f32 to vector<16xf32>
        %sub3A_643 = arith.subf %sub3A_642, %sub3A_128 : vector<16xf32>
        %mul3A_644 = arith.constant 16 : i32
        %mul3A_645 = arith.muli %scan3A_95, %mul3A_644 : i32
        %add3A_646 = arith.constant 640 : i32
        %add3A_647 = arith.addi %add3A_646, %mul3A_645 : i32
        %shift_right_logical3A_648 = arith.constant 4 : i32
        %shift_right_logical3A_649 = vector.broadcast %shift_right_logical3A_648 : i32 to vector<16xi32>
        %shift_right_logical3A_650 = arith.shrui %add3A_640, %shift_right_logical3A_649 : vector<16xi32>
        %swap3A_651 = arith.index_cast %add3A_647 : i32 to index
        %swap3A_652 = tpu.vector_load %arg12[%swap3A_651] {strides = array<i32>} : memref<1024xi32, #tpu.memory_space<vmem>>, vector<16xi32>,
        tpu.vector_store %arg12[%swap3A_651], %shift_right_logical3A_650 {strides = array<i32>} : memref<1024xi32, #tpu.memory_space<vmem>>, vector<16xi32>,
        %and3A_653 = arith.constant 15 : i32
        %and3A_654 = vector.broadcast %and3A_653 : i32 to vector<16xi32>
        %and3A_655 = arith.andi %add3A_640, %and3A_654 : vector<16xi32>
        %swap3A_656 = arith.index_cast %add3A_647 : i32 to index
        %swap3A_657 = tpu.vector_load %arg13[%swap3A_656] {strides = array<i32>} : memref<1024xi32, #tpu.memory_space<vmem>>, vector<16xi32>,
        tpu.vector_store %arg13[%swap3A_656], %and3A_655 {strides = array<i32>} : memref<1024xi32, #tpu.memory_space<vmem>>, vector<16xi32>,
        %jit3A_658 = arith.constant 1 : i32
        %jit3A_659 = arith.constant 0 : i32
        %broadcast_in_dim3A_660 = vector.broadcast %jit3A_658 : i32 to vector<16xi32>
        %broadcast_in_dim3A_661 = vector.broadcast %jit3A_659 : i32 to vector<16xi32>
        %select_n3A_662 = arith.select %and3A_613, %broadcast_in_dim3A_660, %broadcast_in_dim3A_661 : vector<16xi1>, vector<16xi32>
        %swap3A_663 = arith.index_cast %add3A_647 : i32 to index
        %swap3A_664 = tpu.vector_load %arg14[%swap3A_663] {strides = array<i32>} : memref<1024xi32, #tpu.memory_space<vmem>>, vector<16xi32>,
        tpu.vector_store %arg14[%swap3A_663], %select_n3A_662 {strides = array<i32>} : memref<1024xi32, #tpu.memory_space<vmem>>, vector<16xi32>,
        %mul3A_665 = arith.mulf %sub3A_119, %sub3A_643 : vector<16xf32>
        %mul3A_666 = arith.mulf %mul3A_665, %sub3A_137 : vector<16xf32>
        %swap3A_667 = arith.index_cast %add3A_647 : i32 to index
        %swap3A_668 = tpu.vector_load %arg15[%swap3A_667] {strides = array<i32>} : memref<1024xf32, #tpu.memory_space<vmem>>, vector<16xf32>,
        tpu.vector_store %arg15[%swap3A_667], %mul3A_666 {strides = array<i32>} : memref<1024xf32, #tpu.memory_space<vmem>>, vector<16xf32>,
        %add3A_669 = arith.constant 1 : i32
        %add3A_670 = vector.broadcast %add3A_669 : i32 to vector<16xi32>
        %add3A_671 = arith.addi %select_n3A, %add3A_670 : vector<16xi32>
        %add3A_672 = arith.constant 1 : i32
        %add3A_673 = vector.broadcast %add3A_672 : i32 to vector<16xi32>
        %add3A_674 = arith.addi %select_n3A_126, %add3A_673 : vector<16xi32>
        %add3A_675 = arith.constant 0 : i32
        %add3A_676 = vector.broadcast %add3A_675 : i32 to vector<16xi32>
        %add3A_677 = arith.addi %select_n3A_135, %add3A_676 : vector<16xi32>
        %ge3A_678 = arith.constant 0 : i32
        %ge3A_679 = vector.broadcast %ge3A_678 : i32 to vector<16xi32>
        %ge3A_680 = arith.cmpi sge, %add3A_671, %ge3A_679 : vector<16xi32>
        %lt3A_681 = arith.constant 96 : i32
        %lt3A_682 = vector.broadcast %lt3A_681 : i32 to vector<16xi32>
        %lt3A_683 = arith.cmpi slt, %add3A_671, %lt3A_682 : vector<16xi32>
        %and3A_684 = arith.andi %ge3A_680, %lt3A_683 : vector<16xi1>
        %ge3A_685 = arith.constant 0 : i32
        %ge3A_686 = vector.broadcast %ge3A_685 : i32 to vector<16xi32>
        %ge3A_687 = arith.cmpi sge, %add3A_674, %ge3A_686 : vector<16xi32>
        %and3A_688 = arith.andi %and3A_684, %ge3A_687 : vector<16xi1>
        %lt3A_689 = arith.constant 96 : i32
        %lt3A_690 = vector.broadcast %lt3A_689 : i32 to vector<16xi32>
        %lt3A_691 = arith.cmpi slt, %add3A_674, %lt3A_690 : vector<16xi32>
        %and3A_692 = arith.andi %and3A_688, %lt3A_691 : vector<16xi1>
        %ge3A_693 = arith.constant 0 : i32
        %ge3A_694 = vector.broadcast %ge3A_693 : i32 to vector<16xi32>
        %ge3A_695 = arith.cmpi sge, %add3A_677, %ge3A_694 : vector<16xi32>
        %and3A_696 = arith.andi %and3A_692, %ge3A_695 : vector<16xi1>
        %lt3A_697 = arith.constant 96 : i32
        %lt3A_698 = vector.broadcast %lt3A_697 : i32 to vector<16xi32>
        %lt3A_699 = arith.cmpi slt, %add3A_677, %lt3A_698 : vector<16xi32>
        %and3A_700 = arith.andi %and3A_696, %lt3A_699 : vector<16xi1>
        %max3A_701 = arith.constant 0 : i32
        %max3A_702 = vector.broadcast %max3A_701 : i32 to vector<16xi32>
        %max3A_703 = arith.maxsi %add3A_671, %max3A_702 : vector<16xi32>
        %min3A_704 = arith.constant 95 : i32
        %min3A_705 = vector.broadcast %min3A_704 : i32 to vector<16xi32>
        %min3A_706 = arith.minsi %max3A_703, %min3A_705 : vector<16xi32>
        %max3A_707 = arith.constant 0 : i32
        %max3A_708 = vector.broadcast %max3A_707 : i32 to vector<16xi32>
        %max3A_709 = arith.maxsi %add3A_674, %max3A_708 : vector<16xi32>
        %min3A_710 = arith.constant 95 : i32
        %min3A_711 = vector.broadcast %min3A_710 : i32 to vector<16xi32>
        %min3A_712 = arith.minsi %max3A_709, %min3A_711 : vector<16xi32>
        %max3A_713 = arith.constant 0 : i32
        %max3A_714 = vector.broadcast %max3A_713 : i32 to vector<16xi32>
        %max3A_715 = arith.maxsi %add3A_677, %max3A_714 : vector<16xi32>
        %min3A_716 = arith.constant 95 : i32
        %min3A_717 = vector.broadcast %min3A_716 : i32 to vector<16xi32>
        %min3A_718 = arith.minsi %max3A_715, %min3A_717 : vector<16xi32>
        %mul3A_719 = arith.constant 96 : i32
        %mul3A_720 = vector.broadcast %mul3A_719 : i32 to vector<16xi32>
        %mul3A_721 = arith.muli %min3A_706, %mul3A_720 : vector<16xi32>
        %add3A_722 = arith.addi %mul3A_721, %min3A_712 : vector<16xi32>
        %mul3A_723 = arith.constant 96 : i32
        %mul3A_724 = vector.broadcast %mul3A_723 : i32 to vector<16xi32>
        %mul3A_725 = arith.muli %add3A_722, %mul3A_724 : vector<16xi32>
        %add3A_726 = arith.addi %mul3A_140, %mul3A_725 : vector<16xi32>
        %add3A_727 = arith.addi %add3A_726, %min3A_718 : vector<16xi32>
        %sub3A_728 = arith.constant 1.000000e+00 : f32
        %sub3A_729 = vector.broadcast %sub3A_728 : f32 to vector<16xf32>
        %sub3A_730 = arith.subf %sub3A_729, %sub3A_137 : vector<16xf32>
        %mul3A_731 = arith.constant 16 : i32
        %mul3A_732 = arith.muli %scan3A_95, %mul3A_731 : i32
        %add3A_733 = arith.constant 768 : i32
        %add3A_734 = arith.addi %add3A_733, %mul3A_732 : i32
        %shift_right_logical3A_735 = arith.constant 4 : i32
        %shift_right_logical3A_736 = vector.broadcast %shift_right_logical3A_735 : i32 to vector<16xi32>
        %shift_right_logical3A_737 = arith.shrui %add3A_727, %shift_right_logical3A_736 : vector<16xi32>
        %swap3A_738 = arith.index_cast %add3A_734 : i32 to index
        %swap3A_739 = tpu.vector_load %arg12[%swap3A_738] {strides = array<i32>} : memref<1024xi32, #tpu.memory_space<vmem>>, vector<16xi32>,
        tpu.vector_store %arg12[%swap3A_738], %shift_right_logical3A_737 {strides = array<i32>} : memref<1024xi32, #tpu.memory_space<vmem>>, vector<16xi32>,
        %and3A_740 = arith.constant 15 : i32
        %and3A_741 = vector.broadcast %and3A_740 : i32 to vector<16xi32>
        %and3A_742 = arith.andi %add3A_727, %and3A_741 : vector<16xi32>
        %swap3A_743 = arith.index_cast %add3A_734 : i32 to index
        %swap3A_744 = tpu.vector_load %arg13[%swap3A_743] {strides = array<i32>} : memref<1024xi32, #tpu.memory_space<vmem>>, vector<16xi32>,
        tpu.vector_store %arg13[%swap3A_743], %and3A_742 {strides = array<i32>} : memref<1024xi32, #tpu.memory_space<vmem>>, vector<16xi32>,
        %jit3A_745 = arith.constant 1 : i32
        %jit3A_746 = arith.constant 0 : i32
        %broadcast_in_dim3A_747 = vector.broadcast %jit3A_745 : i32 to vector<16xi32>
        %broadcast_in_dim3A_748 = vector.broadcast %jit3A_746 : i32 to vector<16xi32>
        %select_n3A_749 = arith.select %and3A_700, %broadcast_in_dim3A_747, %broadcast_in_dim3A_748 : vector<16xi1>, vector<16xi32>
        %swap3A_750 = arith.index_cast %add3A_734 : i32 to index
        %swap3A_751 = tpu.vector_load %arg14[%swap3A_750] {strides = array<i32>} : memref<1024xi32, #tpu.memory_space<vmem>>, vector<16xi32>,
        tpu.vector_store %arg14[%swap3A_750], %select_n3A_749 {strides = array<i32>} : memref<1024xi32, #tpu.memory_space<vmem>>, vector<16xi32>,
        %mul3A_752 = arith.mulf %sub3A_119, %sub3A_128 : vector<16xf32>
        %mul3A_753 = arith.mulf %mul3A_752, %sub3A_730 : vector<16xf32>
        %swap3A_754 = arith.index_cast %add3A_734 : i32 to index
        %swap3A_755 = tpu.vector_load %arg15[%swap3A_754] {strides = array<i32>} : memref<1024xf32, #tpu.memory_space<vmem>>, vector<16xf32>,
        tpu.vector_store %arg15[%swap3A_754], %mul3A_753 {strides = array<i32>} : memref<1024xf32, #tpu.memory_space<vmem>>, vector<16xf32>,
        %add3A_756 = arith.constant 1 : i32
        %add3A_757 = vector.broadcast %add3A_756 : i32 to vector<16xi32>
        %add3A_758 = arith.addi %select_n3A, %add3A_757 : vector<16xi32>
        %add3A_759 = arith.constant 1 : i32
        %add3A_760 = vector.broadcast %add3A_759 : i32 to vector<16xi32>
        %add3A_761 = arith.addi %select_n3A_126, %add3A_760 : vector<16xi32>
        %add3A_762 = arith.constant 1 : i32
        %add3A_763 = vector.broadcast %add3A_762 : i32 to vector<16xi32>
        %add3A_764 = arith.addi %select_n3A_135, %add3A_763 : vector<16xi32>
        %ge3A_765 = arith.constant 0 : i32
        %ge3A_766 = vector.broadcast %ge3A_765 : i32 to vector<16xi32>
        %ge3A_767 = arith.cmpi sge, %add3A_758, %ge3A_766 : vector<16xi32>
        %lt3A_768 = arith.constant 96 : i32
        %lt3A_769 = vector.broadcast %lt3A_768 : i32 to vector<16xi32>
        %lt3A_770 = arith.cmpi slt, %add3A_758, %lt3A_769 : vector<16xi32>
        %and3A_771 = arith.andi %ge3A_767, %lt3A_770 : vector<16xi1>
        %ge3A_772 = arith.constant 0 : i32
        %ge3A_773 = vector.broadcast %ge3A_772 : i32 to vector<16xi32>
        %ge3A_774 = arith.cmpi sge, %add3A_761, %ge3A_773 : vector<16xi32>
        %and3A_775 = arith.andi %and3A_771, %ge3A_774 : vector<16xi1>
        %lt3A_776 = arith.constant 96 : i32
        %lt3A_777 = vector.broadcast %lt3A_776 : i32 to vector<16xi32>
        %lt3A_778 = arith.cmpi slt, %add3A_761, %lt3A_777 : vector<16xi32>
        %and3A_779 = arith.andi %and3A_775, %lt3A_778 : vector<16xi1>
        %ge3A_780 = arith.constant 0 : i32
        %ge3A_781 = vector.broadcast %ge3A_780 : i32 to vector<16xi32>
        %ge3A_782 = arith.cmpi sge, %add3A_764, %ge3A_781 : vector<16xi32>
        %and3A_783 = arith.andi %and3A_779, %ge3A_782 : vector<16xi1>
        %lt3A_784 = arith.constant 96 : i32
        %lt3A_785 = vector.broadcast %lt3A_784 : i32 to vector<16xi32>
        %lt3A_786 = arith.cmpi slt, %add3A_764, %lt3A_785 : vector<16xi32>
        %and3A_787 = arith.andi %and3A_783, %lt3A_786 : vector<16xi1>
        %max3A_788 = arith.constant 0 : i32
        %max3A_789 = vector.broadcast %max3A_788 : i32 to vector<16xi32>
        %max3A_790 = arith.maxsi %add3A_758, %max3A_789 : vector<16xi32>
        %min3A_791 = arith.constant 95 : i32
        %min3A_792 = vector.broadcast %min3A_791 : i32 to vector<16xi32>
        %min3A_793 = arith.minsi %max3A_790, %min3A_792 : vector<16xi32>
        %max3A_794 = arith.constant 0 : i32
        %max3A_795 = vector.broadcast %max3A_794 : i32 to vector<16xi32>
        %max3A_796 = arith.maxsi %add3A_761, %max3A_795 : vector<16xi32>
        %min3A_797 = arith.constant 95 : i32
        %min3A_798 = vector.broadcast %min3A_797 : i32 to vector<16xi32>
        %min3A_799 = arith.minsi %max3A_796, %min3A_798 : vector<16xi32>
        %max3A_800 = arith.constant 0 : i32
        %max3A_801 = vector.broadcast %max3A_800 : i32 to vector<16xi32>
        %max3A_802 = arith.maxsi %add3A_764, %max3A_801 : vector<16xi32>
        %min3A_803 = arith.constant 95 : i32
        %min3A_804 = vector.broadcast %min3A_803 : i32 to vector<16xi32>
        %min3A_805 = arith.minsi %max3A_802, %min3A_804 : vector<16xi32>
        %mul3A_806 = arith.constant 96 : i32
        %mul3A_807 = vector.broadcast %mul3A_806 : i32 to vector<16xi32>
        %mul3A_808 = arith.muli %min3A_793, %mul3A_807 : vector<16xi32>
        %add3A_809 = arith.addi %mul3A_808, %min3A_799 : vector<16xi32>
        %mul3A_810 = arith.constant 96 : i32
        %mul3A_811 = vector.broadcast %mul3A_810 : i32 to vector<16xi32>
        %mul3A_812 = arith.muli %add3A_809, %mul3A_811 : vector<16xi32>
        %add3A_813 = arith.addi %mul3A_140, %mul3A_812 : vector<16xi32>
        %add3A_814 = arith.addi %add3A_813, %min3A_805 : vector<16xi32>
        %mul3A_815 = arith.constant 16 : i32
        %mul3A_816 = arith.muli %scan3A_95, %mul3A_815 : i32
        %add3A_817 = arith.constant 896 : i32
        %add3A_818 = arith.addi %add3A_817, %mul3A_816 : i32
        %shift_right_logical3A_819 = arith.constant 4 : i32
        %shift_right_logical3A_820 = vector.broadcast %shift_right_logical3A_819 : i32 to vector<16xi32>
        %shift_right_logical3A_821 = arith.shrui %add3A_814, %shift_right_logical3A_820 : vector<16xi32>
        %swap3A_822 = arith.index_cast %add3A_818 : i32 to index
        %swap3A_823 = tpu.vector_load %arg12[%swap3A_822] {strides = array<i32>} : memref<1024xi32, #tpu.memory_space<vmem>>, vector<16xi32>,
        tpu.vector_store %arg12[%swap3A_822], %shift_right_logical3A_821 {strides = array<i32>} : memref<1024xi32, #tpu.memory_space<vmem>>, vector<16xi32>,
        %and3A_824 = arith.constant 15 : i32
        %and3A_825 = vector.broadcast %and3A_824 : i32 to vector<16xi32>
        %and3A_826 = arith.andi %add3A_814, %and3A_825 : vector<16xi32>
        %swap3A_827 = arith.index_cast %add3A_818 : i32 to index
        %swap3A_828 = tpu.vector_load %arg13[%swap3A_827] {strides = array<i32>} : memref<1024xi32, #tpu.memory_space<vmem>>, vector<16xi32>,
        tpu.vector_store %arg13[%swap3A_827], %and3A_826 {strides = array<i32>} : memref<1024xi32, #tpu.memory_space<vmem>>, vector<16xi32>,
        %jit3A_829 = arith.constant 1 : i32
        %jit3A_830 = arith.constant 0 : i32
        %broadcast_in_dim3A_831 = vector.broadcast %jit3A_829 : i32 to vector<16xi32>
        %broadcast_in_dim3A_832 = vector.broadcast %jit3A_830 : i32 to vector<16xi32>
        %select_n3A_833 = arith.select %and3A_787, %broadcast_in_dim3A_831, %broadcast_in_dim3A_832 : vector<16xi1>, vector<16xi32>
        %swap3A_834 = arith.index_cast %add3A_818 : i32 to index
        %swap3A_835 = tpu.vector_load %arg14[%swap3A_834] {strides = array<i32>} : memref<1024xi32, #tpu.memory_space<vmem>>, vector<16xi32>,
        tpu.vector_store %arg14[%swap3A_834], %select_n3A_833 {strides = array<i32>} : memref<1024xi32, #tpu.memory_space<vmem>>, vector<16xi32>,
        %mul3A_836 = arith.mulf %sub3A_119, %sub3A_128 : vector<16xf32>
        %mul3A_837 = arith.mulf %mul3A_836, %sub3A_137 : vector<16xf32>
        %swap3A_838 = arith.index_cast %add3A_818 : i32 to index
        %swap3A_839 = tpu.vector_load %arg15[%swap3A_838] {strides = array<i32>} : memref<1024xf32, #tpu.memory_space<vmem>>, vector<16xf32>,
        tpu.vector_store %arg15[%swap3A_838], %mul3A_837 {strides = array<i32>} : memref<1024xf32, #tpu.memory_space<vmem>>, vector<16xf32>,
      }
      %scan3A_39 = arith.constant 8 : i32
      %dma_start3A_40 = arith.constant 0 : i32
      %dma_start3A_41 = arith.constant 0 : i32
      %dma_start3A_42 = tpu.memref_slice %arg2[%dma_start3A_40, %dma_start3A_41] : memref<110592x16xi32, #tpu.memory_space<hbm>> -> memref<110592x16xi32, #tpu.memory_space<hbm>>
      tpu.enqueue_indirect_dma source(%dma_start3A_42 : memref<110592x16xi32, #tpu.memory_space<hbm>>) target(%arg19 : memref<1024x16xi32, #tpu.memory_space<vmem>>) offsets(%arg12 : memref<1024xi32, #tpu.memory_space<vmem>>) semaphore(%arg23 : memref<!tpu.dma_semaphore, #tpu.memory_space<semaphore_mem>>)
      %dma_wait3A_43 = arith.constant 0 : i32
      %dma_wait3A_44 = arith.constant 0 : i32
      %dma_wait3A_45 = tpu.memref_slice %arg2[%dma_wait3A_43, %dma_wait3A_44] : memref<110592x16xi32, #tpu.memory_space<hbm>> -> memref<110592x16xi32, #tpu.memory_space<hbm>>
      tpu.wait_indirect_dma semaphore(%arg23 : memref<!tpu.dma_semaphore, #tpu.memory_space<semaphore_mem>>) src(%dma_wait3A_45 : memref<110592x16xi32, #tpu.memory_space<hbm>>) dst(%arg19 : memref<1024x16xi32, #tpu.memory_space<vmem>>)
      %scan3A_46 = arith.constant 0 : i32
      %scan3A_47 = arith.constant 0 : i32
      %scan3A_48 = arith.constant 8 : i32
      %scan3A_49 = arith.addi %scan3A_47, %scan3A_48 : i32
      %scan3A_50 = arith.constant 1 : i32
      scf.for %scan3A_95 = %scan3A_47 to %scan3A_49 step %scan3A_50  : i32 {
        %mul3A_96 = arith.constant 16 : i32
        %mul3A_97 = arith.muli %scan3A_95, %mul3A_96 : i32
        %add3A_98 = arith.constant 0 : i32
        %add3A_99 = arith.addi %add3A_98, %mul3A_97 : i32
        %mul3A_100 = arith.constant 16 : i32
        %mul3A_101 = arith.muli %scan3A_95, %mul3A_100 : i32
        %add3A_102 = arith.constant 0 : i32
        %add3A_103 = arith.addi %add3A_102, %mul3A_101 : i32
        %iota3A = tpu.iota {dimensions = array<i32: 0>} : vector<16xi32>
        %add3A_104 = vector.broadcast %add3A_103 : i32 to vector<16xi32>
        %add3A_105 = arith.addi %add3A_104, %iota3A : vector<16xi32>
        %get3A = arith.index_cast %add3A_99 : i32 to index
        %get3A_106 = tpu.vector_load %arg13[%get3A] {strides = array<i32>} : memref<1024xi32, #tpu.memory_space<vmem>>, vector<16xi32>,
        %gather3A = tpu.vector_load_idx %arg19[%add3A_105, %get3A_106] : memref<1024x16xi32, #tpu.memory_space<vmem>>[vector<16xi32>, vector<16xi32>], vector<16xi32>,
        %get3A_107 = arith.index_cast %add3A_99 : i32 to index
        %get3A_108 = tpu.vector_load %arg14[%get3A_107] {strides = array<i32>} : memref<1024xi32, #tpu.memory_space<vmem>>, vector<16xi32>,
        %gt3A = arith.constant 0 : i32
        %gt3A_109 = vector.broadcast %gt3A : i32 to vector<16xi32>
        %gt3A_110 = arith.cmpi sgt, %get3A_108, %gt3A_109 : vector<16xi32>
        %get3A_111 = arith.index_cast %add3A_99 : i32 to index
        %get3A_112 = tpu.vector_load %arg15[%get3A_111] {strides = array<i32>} : memref<1024xf32, #tpu.memory_space<vmem>>, vector<16xf32>,
        %ge3A = arith.constant 0 : i32
        %ge3A_113 = vector.broadcast %ge3A : i32 to vector<16xi32>
        %ge3A_114 = arith.cmpi sge, %gather3A, %ge3A_113 : vector<16xi32>
        %and3A = arith.andi %gt3A_110, %ge3A_114 : vector<16xi1>
        %jit3A = arith.constant 0 : i32
        %broadcast_in_dim3A = vector.broadcast %jit3A : i32 to vector<16xi32>
        %select_n3A = arith.select %and3A, %gather3A, %broadcast_in_dim3A : vector<16xi1>, vector<16xi32>
        %swap3A = arith.index_cast %add3A_99 : i32 to index
        %swap3A_115 = tpu.vector_load %arg16[%swap3A] {strides = array<i32>} : memref<1024xi32, #tpu.memory_space<vmem>>, vector<16xi32>,
        tpu.vector_store %arg16[%swap3A], %select_n3A {strides = array<i32>} : memref<1024xi32, #tpu.memory_space<vmem>>, vector<16xi32>,
        %jit3A_116 = arith.constant 0.000000e+00 : f32
        %broadcast_in_dim3A_117 = vector.broadcast %jit3A_116 : f32 to vector<16xf32>
        %select_n3A_118 = arith.select %and3A, %get3A_112, %broadcast_in_dim3A_117 : vector<16xi1>, vector<16xf32>
        %swap3A_119 = arith.index_cast %add3A_99 : i32 to index
        %swap3A_120 = tpu.vector_load %arg17[%swap3A_119] {strides = array<i32>} : memref<1024xf32, #tpu.memory_space<vmem>>, vector<16xf32>,
        tpu.vector_store %arg17[%swap3A_119], %select_n3A_118 {strides = array<i32>} : memref<1024xf32, #tpu.memory_space<vmem>>, vector<16xf32>,
        %jit3A_121 = arith.constant -1 : i32
        %broadcast_in_dim3A_122 = vector.broadcast %jit3A_121 : i32 to vector<16xi32>
        %select_n3A_123 = arith.select %and3A, %gather3A, %broadcast_in_dim3A_122 : vector<16xi1>, vector<16xi32>
        %swap3A_124 = arith.index_cast %add3A_99 : i32 to index
        %swap3A_125 = tpu.vector_load %arg18[%swap3A_124] {strides = array<i32>} : memref<1024xi32, #tpu.memory_space<vmem>>, vector<16xi32>,
        tpu.vector_store %arg18[%swap3A_124], %select_n3A_123 {strides = array<i32>} : memref<1024xi32, #tpu.memory_space<vmem>>, vector<16xi32>,
        %mul3A_126 = arith.constant 16 : i32
        %mul3A_127 = arith.muli %scan3A_95, %mul3A_126 : i32
        %add3A_128 = arith.constant 128 : i32
        %add3A_129 = arith.addi %add3A_128, %mul3A_127 : i32
        %mul3A_130 = arith.constant 16 : i32
        %mul3A_131 = arith.muli %scan3A_95, %mul3A_130 : i32
        %add3A_132 = arith.constant 128 : i32
        %add3A_133 = arith.addi %add3A_132, %mul3A_131 : i32
        %iota3A_134 = tpu.iota {dimensions = array<i32: 0>} : vector<16xi32>
        %add3A_135 = vector.broadcast %add3A_133 : i32 to vector<16xi32>
        %add3A_136 = arith.addi %add3A_135, %iota3A_134 : vector<16xi32>
        %get3A_137 = arith.index_cast %add3A_129 : i32 to index
        %get3A_138 = tpu.vector_load %arg13[%get3A_137] {strides = array<i32>} : memref<1024xi32, #tpu.memory_space<vmem>>, vector<16xi32>,
        %gather3A_139 = tpu.vector_load_idx %arg19[%add3A_136, %get3A_138] : memref<1024x16xi32, #tpu.memory_space<vmem>>[vector<16xi32>, vector<16xi32>], vector<16xi32>,
        %get3A_140 = arith.index_cast %add3A_129 : i32 to index
        %get3A_141 = tpu.vector_load %arg14[%get3A_140] {strides = array<i32>} : memref<1024xi32, #tpu.memory_space<vmem>>, vector<16xi32>,
        %gt3A_142 = arith.constant 0 : i32
        %gt3A_143 = vector.broadcast %gt3A_142 : i32 to vector<16xi32>
        %gt3A_144 = arith.cmpi sgt, %get3A_141, %gt3A_143 : vector<16xi32>
        %get3A_145 = arith.index_cast %add3A_129 : i32 to index
        %get3A_146 = tpu.vector_load %arg15[%get3A_145] {strides = array<i32>} : memref<1024xf32, #tpu.memory_space<vmem>>, vector<16xf32>,
        %ge3A_147 = arith.constant 0 : i32
        %ge3A_148 = vector.broadcast %ge3A_147 : i32 to vector<16xi32>
        %ge3A_149 = arith.cmpi sge, %gather3A_139, %ge3A_148 : vector<16xi32>
        %and3A_150 = arith.andi %gt3A_144, %ge3A_149 : vector<16xi1>
        %jit3A_151 = arith.constant 0 : i32
        %broadcast_in_dim3A_152 = vector.broadcast %jit3A_151 : i32 to vector<16xi32>
        %select_n3A_153 = arith.select %and3A_150, %gather3A_139, %broadcast_in_dim3A_152 : vector<16xi1>, vector<16xi32>
        %swap3A_154 = arith.index_cast %add3A_129 : i32 to index
        %swap3A_155 = tpu.vector_load %arg16[%swap3A_154] {strides = array<i32>} : memref<1024xi32, #tpu.memory_space<vmem>>, vector<16xi32>,
        tpu.vector_store %arg16[%swap3A_154], %select_n3A_153 {strides = array<i32>} : memref<1024xi32, #tpu.memory_space<vmem>>, vector<16xi32>,
        %jit3A_156 = arith.constant 0.000000e+00 : f32
        %broadcast_in_dim3A_157 = vector.broadcast %jit3A_156 : f32 to vector<16xf32>
        %select_n3A_158 = arith.select %and3A_150, %get3A_146, %broadcast_in_dim3A_157 : vector<16xi1>, vector<16xf32>
        %swap3A_159 = arith.index_cast %add3A_129 : i32 to index
        %swap3A_160 = tpu.vector_load %arg17[%swap3A_159] {strides = array<i32>} : memref<1024xf32, #tpu.memory_space<vmem>>, vector<16xf32>,
        tpu.vector_store %arg17[%swap3A_159], %select_n3A_158 {strides = array<i32>} : memref<1024xf32, #tpu.memory_space<vmem>>, vector<16xf32>,
        %jit3A_161 = arith.constant -1 : i32
        %broadcast_in_dim3A_162 = vector.broadcast %jit3A_161 : i32 to vector<16xi32>
        %select_n3A_163 = arith.select %and3A_150, %gather3A_139, %broadcast_in_dim3A_162 : vector<16xi1>, vector<16xi32>
        %swap3A_164 = arith.index_cast %add3A_129 : i32 to index
        %swap3A_165 = tpu.vector_load %arg18[%swap3A_164] {strides = array<i32>} : memref<1024xi32, #tpu.memory_space<vmem>>, vector<16xi32>,
        tpu.vector_store %arg18[%swap3A_164], %select_n3A_163 {strides = array<i32>} : memref<1024xi32, #tpu.memory_space<vmem>>, vector<16xi32>,
        %mul3A_166 = arith.constant 16 : i32
        %mul3A_167 = arith.muli %scan3A_95, %mul3A_166 : i32
        %add3A_168 = arith.constant 256 : i32
        %add3A_169 = arith.addi %add3A_168, %mul3A_167 : i32
        %mul3A_170 = arith.constant 16 : i32
        %mul3A_171 = arith.muli %scan3A_95, %mul3A_170 : i32
        %add3A_172 = arith.constant 256 : i32
        %add3A_173 = arith.addi %add3A_172, %mul3A_171 : i32
        %iota3A_174 = tpu.iota {dimensions = array<i32: 0>} : vector<16xi32>
        %add3A_175 = vector.broadcast %add3A_173 : i32 to vector<16xi32>
        %add3A_176 = arith.addi %add3A_175, %iota3A_174 : vector<16xi32>
        %get3A_177 = arith.index_cast %add3A_169 : i32 to index
        %get3A_178 = tpu.vector_load %arg13[%get3A_177] {strides = array<i32>} : memref<1024xi32, #tpu.memory_space<vmem>>, vector<16xi32>,
        %gather3A_179 = tpu.vector_load_idx %arg19[%add3A_176, %get3A_178] : memref<1024x16xi32, #tpu.memory_space<vmem>>[vector<16xi32>, vector<16xi32>], vector<16xi32>,
        %get3A_180 = arith.index_cast %add3A_169 : i32 to index
        %get3A_181 = tpu.vector_load %arg14[%get3A_180] {strides = array<i32>} : memref<1024xi32, #tpu.memory_space<vmem>>, vector<16xi32>,
        %gt3A_182 = arith.constant 0 : i32
        %gt3A_183 = vector.broadcast %gt3A_182 : i32 to vector<16xi32>
        %gt3A_184 = arith.cmpi sgt, %get3A_181, %gt3A_183 : vector<16xi32>
        %get3A_185 = arith.index_cast %add3A_169 : i32 to index
        %get3A_186 = tpu.vector_load %arg15[%get3A_185] {strides = array<i32>} : memref<1024xf32, #tpu.memory_space<vmem>>, vector<16xf32>,
        %ge3A_187 = arith.constant 0 : i32
        %ge3A_188 = vector.broadcast %ge3A_187 : i32 to vector<16xi32>
        %ge3A_189 = arith.cmpi sge, %gather3A_179, %ge3A_188 : vector<16xi32>
        %and3A_190 = arith.andi %gt3A_184, %ge3A_189 : vector<16xi1>
        %jit3A_191 = arith.constant 0 : i32
        %broadcast_in_dim3A_192 = vector.broadcast %jit3A_191 : i32 to vector<16xi32>
        %select_n3A_193 = arith.select %and3A_190, %gather3A_179, %broadcast_in_dim3A_192 : vector<16xi1>, vector<16xi32>
        %swap3A_194 = arith.index_cast %add3A_169 : i32 to index
        %swap3A_195 = tpu.vector_load %arg16[%swap3A_194] {strides = array<i32>} : memref<1024xi32, #tpu.memory_space<vmem>>, vector<16xi32>,
        tpu.vector_store %arg16[%swap3A_194], %select_n3A_193 {strides = array<i32>} : memref<1024xi32, #tpu.memory_space<vmem>>, vector<16xi32>,
        %jit3A_196 = arith.constant 0.000000e+00 : f32
        %broadcast_in_dim3A_197 = vector.broadcast %jit3A_196 : f32 to vector<16xf32>
        %select_n3A_198 = arith.select %and3A_190, %get3A_186, %broadcast_in_dim3A_197 : vector<16xi1>, vector<16xf32>
        %swap3A_199 = arith.index_cast %add3A_169 : i32 to index
        %swap3A_200 = tpu.vector_load %arg17[%swap3A_199] {strides = array<i32>} : memref<1024xf32, #tpu.memory_space<vmem>>, vector<16xf32>,
        tpu.vector_store %arg17[%swap3A_199], %select_n3A_198 {strides = array<i32>} : memref<1024xf32, #tpu.memory_space<vmem>>, vector<16xf32>,
        %jit3A_201 = arith.constant -1 : i32
        %broadcast_in_dim3A_202 = vector.broadcast %jit3A_201 : i32 to vector<16xi32>
        %select_n3A_203 = arith.select %and3A_190, %gather3A_179, %broadcast_in_dim3A_202 : vector<16xi1>, vector<16xi32>
        %swap3A_204 = arith.index_cast %add3A_169 : i32 to index
        %swap3A_205 = tpu.vector_load %arg18[%swap3A_204] {strides = array<i32>} : memref<1024xi32, #tpu.memory_space<vmem>>, vector<16xi32>,
        tpu.vector_store %arg18[%swap3A_204], %select_n3A_203 {strides = array<i32>} : memref<1024xi32, #tpu.memory_space<vmem>>, vector<16xi32>,
        %mul3A_206 = arith.constant 16 : i32
        %mul3A_207 = arith.muli %scan3A_95, %mul3A_206 : i32
        %add3A_208 = arith.constant 384 : i32
        %add3A_209 = arith.addi %add3A_208, %mul3A_207 : i32
        %mul3A_210 = arith.constant 16 : i32
        %mul3A_211 = arith.muli %scan3A_95, %mul3A_210 : i32
        %add3A_212 = arith.constant 384 : i32
        %add3A_213 = arith.addi %add3A_212, %mul3A_211 : i32
        %iota3A_214 = tpu.iota {dimensions = array<i32: 0>} : vector<16xi32>
        %add3A_215 = vector.broadcast %add3A_213 : i32 to vector<16xi32>
        %add3A_216 = arith.addi %add3A_215, %iota3A_214 : vector<16xi32>
        %get3A_217 = arith.index_cast %add3A_209 : i32 to index
        %get3A_218 = tpu.vector_load %arg13[%get3A_217] {strides = array<i32>} : memref<1024xi32, #tpu.memory_space<vmem>>, vector<16xi32>,
        %gather3A_219 = tpu.vector_load_idx %arg19[%add3A_216, %get3A_218] : memref<1024x16xi32, #tpu.memory_space<vmem>>[vector<16xi32>, vector<16xi32>], vector<16xi32>,
        %get3A_220 = arith.index_cast %add3A_209 : i32 to index
        %get3A_221 = tpu.vector_load %arg14[%get3A_220] {strides = array<i32>} : memref<1024xi32, #tpu.memory_space<vmem>>, vector<16xi32>,
        %gt3A_222 = arith.constant 0 : i32
        %gt3A_223 = vector.broadcast %gt3A_222 : i32 to vector<16xi32>
        %gt3A_224 = arith.cmpi sgt, %get3A_221, %gt3A_223 : vector<16xi32>
        %get3A_225 = arith.index_cast %add3A_209 : i32 to index
        %get3A_226 = tpu.vector_load %arg15[%get3A_225] {strides = array<i32>} : memref<1024xf32, #tpu.memory_space<vmem>>, vector<16xf32>,
        %ge3A_227 = arith.constant 0 : i32
        %ge3A_228 = vector.broadcast %ge3A_227 : i32 to vector<16xi32>
        %ge3A_229 = arith.cmpi sge, %gather3A_219, %ge3A_228 : vector<16xi32>
        %and3A_230 = arith.andi %gt3A_224, %ge3A_229 : vector<16xi1>
        %jit3A_231 = arith.constant 0 : i32
        %broadcast_in_dim3A_232 = vector.broadcast %jit3A_231 : i32 to vector<16xi32>
        %select_n3A_233 = arith.select %and3A_230, %gather3A_219, %broadcast_in_dim3A_232 : vector<16xi1>, vector<16xi32>
        %swap3A_234 = arith.index_cast %add3A_209 : i32 to index
        %swap3A_235 = tpu.vector_load %arg16[%swap3A_234] {strides = array<i32>} : memref<1024xi32, #tpu.memory_space<vmem>>, vector<16xi32>,
        tpu.vector_store %arg16[%swap3A_234], %select_n3A_233 {strides = array<i32>} : memref<1024xi32, #tpu.memory_space<vmem>>, vector<16xi32>,
        %jit3A_236 = arith.constant 0.000000e+00 : f32
        %broadcast_in_dim3A_237 = vector.broadcast %jit3A_236 : f32 to vector<16xf32>
        %select_n3A_238 = arith.select %and3A_230, %get3A_226, %broadcast_in_dim3A_237 : vector<16xi1>, vector<16xf32>
        %swap3A_239 = arith.index_cast %add3A_209 : i32 to index
        %swap3A_240 = tpu.vector_load %arg17[%swap3A_239] {strides = array<i32>} : memref<1024xf32, #tpu.memory_space<vmem>>, vector<16xf32>,
        tpu.vector_store %arg17[%swap3A_239], %select_n3A_238 {strides = array<i32>} : memref<1024xf32, #tpu.memory_space<vmem>>, vector<16xf32>,
        %jit3A_241 = arith.constant -1 : i32
        %broadcast_in_dim3A_242 = vector.broadcast %jit3A_241 : i32 to vector<16xi32>
        %select_n3A_243 = arith.select %and3A_230, %gather3A_219, %broadcast_in_dim3A_242 : vector<16xi1>, vector<16xi32>
        %swap3A_244 = arith.index_cast %add3A_209 : i32 to index
        %swap3A_245 = tpu.vector_load %arg18[%swap3A_244] {strides = array<i32>} : memref<1024xi32, #tpu.memory_space<vmem>>, vector<16xi32>,
        tpu.vector_store %arg18[%swap3A_244], %select_n3A_243 {strides = array<i32>} : memref<1024xi32, #tpu.memory_space<vmem>>, vector<16xi32>,
        %mul3A_246 = arith.constant 16 : i32
        %mul3A_247 = arith.muli %scan3A_95, %mul3A_246 : i32
        %add3A_248 = arith.constant 512 : i32
        %add3A_249 = arith.addi %add3A_248, %mul3A_247 : i32
        %mul3A_250 = arith.constant 16 : i32
        %mul3A_251 = arith.muli %scan3A_95, %mul3A_250 : i32
        %add3A_252 = arith.constant 512 : i32
        %add3A_253 = arith.addi %add3A_252, %mul3A_251 : i32
        %iota3A_254 = tpu.iota {dimensions = array<i32: 0>} : vector<16xi32>
        %add3A_255 = vector.broadcast %add3A_253 : i32 to vector<16xi32>
        %add3A_256 = arith.addi %add3A_255, %iota3A_254 : vector<16xi32>
        %get3A_257 = arith.index_cast %add3A_249 : i32 to index
        %get3A_258 = tpu.vector_load %arg13[%get3A_257] {strides = array<i32>} : memref<1024xi32, #tpu.memory_space<vmem>>, vector<16xi32>,
        %gather3A_259 = tpu.vector_load_idx %arg19[%add3A_256, %get3A_258] : memref<1024x16xi32, #tpu.memory_space<vmem>>[vector<16xi32>, vector<16xi32>], vector<16xi32>,
        %get3A_260 = arith.index_cast %add3A_249 : i32 to index
        %get3A_261 = tpu.vector_load %arg14[%get3A_260] {strides = array<i32>} : memref<1024xi32, #tpu.memory_space<vmem>>, vector<16xi32>,
        %gt3A_262 = arith.constant 0 : i32
        %gt3A_263 = vector.broadcast %gt3A_262 : i32 to vector<16xi32>
        %gt3A_264 = arith.cmpi sgt, %get3A_261, %gt3A_263 : vector<16xi32>
        %get3A_265 = arith.index_cast %add3A_249 : i32 to index
        %get3A_266 = tpu.vector_load %arg15[%get3A_265] {strides = array<i32>} : memref<1024xf32, #tpu.memory_space<vmem>>, vector<16xf32>,
        %ge3A_267 = arith.constant 0 : i32
        %ge3A_268 = vector.broadcast %ge3A_267 : i32 to vector<16xi32>
        %ge3A_269 = arith.cmpi sge, %gather3A_259, %ge3A_268 : vector<16xi32>
        %and3A_270 = arith.andi %gt3A_264, %ge3A_269 : vector<16xi1>
        %jit3A_271 = arith.constant 0 : i32
        %broadcast_in_dim3A_272 = vector.broadcast %jit3A_271 : i32 to vector<16xi32>
        %select_n3A_273 = arith.select %and3A_270, %gather3A_259, %broadcast_in_dim3A_272 : vector<16xi1>, vector<16xi32>
        %swap3A_274 = arith.index_cast %add3A_249 : i32 to index
        %swap3A_275 = tpu.vector_load %arg16[%swap3A_274] {strides = array<i32>} : memref<1024xi32, #tpu.memory_space<vmem>>, vector<16xi32>,
        tpu.vector_store %arg16[%swap3A_274], %select_n3A_273 {strides = array<i32>} : memref<1024xi32, #tpu.memory_space<vmem>>, vector<16xi32>,
        %jit3A_276 = arith.constant 0.000000e+00 : f32
        %broadcast_in_dim3A_277 = vector.broadcast %jit3A_276 : f32 to vector<16xf32>
        %select_n3A_278 = arith.select %and3A_270, %get3A_266, %broadcast_in_dim3A_277 : vector<16xi1>, vector<16xf32>
        %swap3A_279 = arith.index_cast %add3A_249 : i32 to index
        %swap3A_280 = tpu.vector_load %arg17[%swap3A_279] {strides = array<i32>} : memref<1024xf32, #tpu.memory_space<vmem>>, vector<16xf32>,
        tpu.vector_store %arg17[%swap3A_279], %select_n3A_278 {strides = array<i32>} : memref<1024xf32, #tpu.memory_space<vmem>>, vector<16xf32>,
        %jit3A_281 = arith.constant -1 : i32
        %broadcast_in_dim3A_282 = vector.broadcast %jit3A_281 : i32 to vector<16xi32>
        %select_n3A_283 = arith.select %and3A_270, %gather3A_259, %broadcast_in_dim3A_282 : vector<16xi1>, vector<16xi32>
        %swap3A_284 = arith.index_cast %add3A_249 : i32 to index
        %swap3A_285 = tpu.vector_load %arg18[%swap3A_284] {strides = array<i32>} : memref<1024xi32, #tpu.memory_space<vmem>>, vector<16xi32>,
        tpu.vector_store %arg18[%swap3A_284], %select_n3A_283 {strides = array<i32>} : memref<1024xi32, #tpu.memory_space<vmem>>, vector<16xi32>,
        %mul3A_286 = arith.constant 16 : i32
        %mul3A_287 = arith.muli %scan3A_95, %mul3A_286 : i32
        %add3A_288 = arith.constant 640 : i32
        %add3A_289 = arith.addi %add3A_288, %mul3A_287 : i32
        %mul3A_290 = arith.constant 16 : i32
        %mul3A_291 = arith.muli %scan3A_95, %mul3A_290 : i32
        %add3A_292 = arith.constant 640 : i32
        %add3A_293 = arith.addi %add3A_292, %mul3A_291 : i32
        %iota3A_294 = tpu.iota {dimensions = array<i32: 0>} : vector<16xi32>
        %add3A_295 = vector.broadcast %add3A_293 : i32 to vector<16xi32>
        %add3A_296 = arith.addi %add3A_295, %iota3A_294 : vector<16xi32>
        %get3A_297 = arith.index_cast %add3A_289 : i32 to index
        %get3A_298 = tpu.vector_load %arg13[%get3A_297] {strides = array<i32>} : memref<1024xi32, #tpu.memory_space<vmem>>, vector<16xi32>,
        %gather3A_299 = tpu.vector_load_idx %arg19[%add3A_296, %get3A_298] : memref<1024x16xi32, #tpu.memory_space<vmem>>[vector<16xi32>, vector<16xi32>], vector<16xi32>,
        %get3A_300 = arith.index_cast %add3A_289 : i32 to index
        %get3A_301 = tpu.vector_load %arg14[%get3A_300] {strides = array<i32>} : memref<1024xi32, #tpu.memory_space<vmem>>, vector<16xi32>,
        %gt3A_302 = arith.constant 0 : i32
        %gt3A_303 = vector.broadcast %gt3A_302 : i32 to vector<16xi32>
        %gt3A_304 = arith.cmpi sgt, %get3A_301, %gt3A_303 : vector<16xi32>
        %get3A_305 = arith.index_cast %add3A_289 : i32 to index
        %get3A_306 = tpu.vector_load %arg15[%get3A_305] {strides = array<i32>} : memref<1024xf32, #tpu.memory_space<vmem>>, vector<16xf32>,
        %ge3A_307 = arith.constant 0 : i32
        %ge3A_308 = vector.broadcast %ge3A_307 : i32 to vector<16xi32>
        %ge3A_309 = arith.cmpi sge, %gather3A_299, %ge3A_308 : vector<16xi32>
        %and3A_310 = arith.andi %gt3A_304, %ge3A_309 : vector<16xi1>
        %jit3A_311 = arith.constant 0 : i32
        %broadcast_in_dim3A_312 = vector.broadcast %jit3A_311 : i32 to vector<16xi32>
        %select_n3A_313 = arith.select %and3A_310, %gather3A_299, %broadcast_in_dim3A_312 : vector<16xi1>, vector<16xi32>
        %swap3A_314 = arith.index_cast %add3A_289 : i32 to index
        %swap3A_315 = tpu.vector_load %arg16[%swap3A_314] {strides = array<i32>} : memref<1024xi32, #tpu.memory_space<vmem>>, vector<16xi32>,
        tpu.vector_store %arg16[%swap3A_314], %select_n3A_313 {strides = array<i32>} : memref<1024xi32, #tpu.memory_space<vmem>>, vector<16xi32>,
        %jit3A_316 = arith.constant 0.000000e+00 : f32
        %broadcast_in_dim3A_317 = vector.broadcast %jit3A_316 : f32 to vector<16xf32>
        %select_n3A_318 = arith.select %and3A_310, %get3A_306, %broadcast_in_dim3A_317 : vector<16xi1>, vector<16xf32>
        %swap3A_319 = arith.index_cast %add3A_289 : i32 to index
        %swap3A_320 = tpu.vector_load %arg17[%swap3A_319] {strides = array<i32>} : memref<1024xf32, #tpu.memory_space<vmem>>, vector<16xf32>,
        tpu.vector_store %arg17[%swap3A_319], %select_n3A_318 {strides = array<i32>} : memref<1024xf32, #tpu.memory_space<vmem>>, vector<16xf32>,
        %jit3A_321 = arith.constant -1 : i32
        %broadcast_in_dim3A_322 = vector.broadcast %jit3A_321 : i32 to vector<16xi32>
        %select_n3A_323 = arith.select %and3A_310, %gather3A_299, %broadcast_in_dim3A_322 : vector<16xi1>, vector<16xi32>
        %swap3A_324 = arith.index_cast %add3A_289 : i32 to index
        %swap3A_325 = tpu.vector_load %arg18[%swap3A_324] {strides = array<i32>} : memref<1024xi32, #tpu.memory_space<vmem>>, vector<16xi32>,
        tpu.vector_store %arg18[%swap3A_324], %select_n3A_323 {strides = array<i32>} : memref<1024xi32, #tpu.memory_space<vmem>>, vector<16xi32>,
        %mul3A_326 = arith.constant 16 : i32
        %mul3A_327 = arith.muli %scan3A_95, %mul3A_326 : i32
        %add3A_328 = arith.constant 768 : i32
        %add3A_329 = arith.addi %add3A_328, %mul3A_327 : i32
        %mul3A_330 = arith.constant 16 : i32
        %mul3A_331 = arith.muli %scan3A_95, %mul3A_330 : i32
        %add3A_332 = arith.constant 768 : i32
        %add3A_333 = arith.addi %add3A_332, %mul3A_331 : i32
        %iota3A_334 = tpu.iota {dimensions = array<i32: 0>} : vector<16xi32>
        %add3A_335 = vector.broadcast %add3A_333 : i32 to vector<16xi32>
        %add3A_336 = arith.addi %add3A_335, %iota3A_334 : vector<16xi32>
        %get3A_337 = arith.index_cast %add3A_329 : i32 to index
        %get3A_338 = tpu.vector_load %arg13[%get3A_337] {strides = array<i32>} : memref<1024xi32, #tpu.memory_space<vmem>>, vector<16xi32>,
        %gather3A_339 = tpu.vector_load_idx %arg19[%add3A_336, %get3A_338] : memref<1024x16xi32, #tpu.memory_space<vmem>>[vector<16xi32>, vector<16xi32>], vector<16xi32>,
        %get3A_340 = arith.index_cast %add3A_329 : i32 to index
        %get3A_341 = tpu.vector_load %arg14[%get3A_340] {strides = array<i32>} : memref<1024xi32, #tpu.memory_space<vmem>>, vector<16xi32>,
        %gt3A_342 = arith.constant 0 : i32
        %gt3A_343 = vector.broadcast %gt3A_342 : i32 to vector<16xi32>
        %gt3A_344 = arith.cmpi sgt, %get3A_341, %gt3A_343 : vector<16xi32>
        %get3A_345 = arith.index_cast %add3A_329 : i32 to index
        %get3A_346 = tpu.vector_load %arg15[%get3A_345] {strides = array<i32>} : memref<1024xf32, #tpu.memory_space<vmem>>, vector<16xf32>,
        %ge3A_347 = arith.constant 0 : i32
        %ge3A_348 = vector.broadcast %ge3A_347 : i32 to vector<16xi32>
        %ge3A_349 = arith.cmpi sge, %gather3A_339, %ge3A_348 : vector<16xi32>
        %and3A_350 = arith.andi %gt3A_344, %ge3A_349 : vector<16xi1>
        %jit3A_351 = arith.constant 0 : i32
        %broadcast_in_dim3A_352 = vector.broadcast %jit3A_351 : i32 to vector<16xi32>
        %select_n3A_353 = arith.select %and3A_350, %gather3A_339, %broadcast_in_dim3A_352 : vector<16xi1>, vector<16xi32>
        %swap3A_354 = arith.index_cast %add3A_329 : i32 to index
        %swap3A_355 = tpu.vector_load %arg16[%swap3A_354] {strides = array<i32>} : memref<1024xi32, #tpu.memory_space<vmem>>, vector<16xi32>,
        tpu.vector_store %arg16[%swap3A_354], %select_n3A_353 {strides = array<i32>} : memref<1024xi32, #tpu.memory_space<vmem>>, vector<16xi32>,
        %jit3A_356 = arith.constant 0.000000e+00 : f32
        %broadcast_in_dim3A_357 = vector.broadcast %jit3A_356 : f32 to vector<16xf32>
        %select_n3A_358 = arith.select %and3A_350, %get3A_346, %broadcast_in_dim3A_357 : vector<16xi1>, vector<16xf32>
        %swap3A_359 = arith.index_cast %add3A_329 : i32 to index
        %swap3A_360 = tpu.vector_load %arg17[%swap3A_359] {strides = array<i32>} : memref<1024xf32, #tpu.memory_space<vmem>>, vector<16xf32>,
        tpu.vector_store %arg17[%swap3A_359], %select_n3A_358 {strides = array<i32>} : memref<1024xf32, #tpu.memory_space<vmem>>, vector<16xf32>,
        %jit3A_361 = arith.constant -1 : i32
        %broadcast_in_dim3A_362 = vector.broadcast %jit3A_361 : i32 to vector<16xi32>
        %select_n3A_363 = arith.select %and3A_350, %gather3A_339, %broadcast_in_dim3A_362 : vector<16xi1>, vector<16xi32>
        %swap3A_364 = arith.index_cast %add3A_329 : i32 to index
        %swap3A_365 = tpu.vector_load %arg18[%swap3A_364] {strides = array<i32>} : memref<1024xi32, #tpu.memory_space<vmem>>, vector<16xi32>,
        tpu.vector_store %arg18[%swap3A_364], %select_n3A_363 {strides = array<i32>} : memref<1024xi32, #tpu.memory_space<vmem>>, vector<16xi32>,
        %mul3A_366 = arith.constant 16 : i32
        %mul3A_367 = arith.muli %scan3A_95, %mul3A_366 : i32
        %add3A_368 = arith.constant 896 : i32
        %add3A_369 = arith.addi %add3A_368, %mul3A_367 : i32
        %mul3A_370 = arith.constant 16 : i32
        %mul3A_371 = arith.muli %scan3A_95, %mul3A_370 : i32
        %add3A_372 = arith.constant 896 : i32
        %add3A_373 = arith.addi %add3A_372, %mul3A_371 : i32
        %iota3A_374 = tpu.iota {dimensions = array<i32: 0>} : vector<16xi32>
        %add3A_375 = vector.broadcast %add3A_373 : i32 to vector<16xi32>
        %add3A_376 = arith.addi %add3A_375, %iota3A_374 : vector<16xi32>
        %get3A_377 = arith.index_cast %add3A_369 : i32 to index
        %get3A_378 = tpu.vector_load %arg13[%get3A_377] {strides = array<i32>} : memref<1024xi32, #tpu.memory_space<vmem>>, vector<16xi32>,
        %gather3A_379 = tpu.vector_load_idx %arg19[%add3A_376, %get3A_378] : memref<1024x16xi32, #tpu.memory_space<vmem>>[vector<16xi32>, vector<16xi32>], vector<16xi32>,
        %get3A_380 = arith.index_cast %add3A_369 : i32 to index
        %get3A_381 = tpu.vector_load %arg14[%get3A_380] {strides = array<i32>} : memref<1024xi32, #tpu.memory_space<vmem>>, vector<16xi32>,
        %gt3A_382 = arith.constant 0 : i32
        %gt3A_383 = vector.broadcast %gt3A_382 : i32 to vector<16xi32>
        %gt3A_384 = arith.cmpi sgt, %get3A_381, %gt3A_383 : vector<16xi32>
        %get3A_385 = arith.index_cast %add3A_369 : i32 to index
        %get3A_386 = tpu.vector_load %arg15[%get3A_385] {strides = array<i32>} : memref<1024xf32, #tpu.memory_space<vmem>>, vector<16xf32>,
        %ge3A_387 = arith.constant 0 : i32
        %ge3A_388 = vector.broadcast %ge3A_387 : i32 to vector<16xi32>
        %ge3A_389 = arith.cmpi sge, %gather3A_379, %ge3A_388 : vector<16xi32>
        %and3A_390 = arith.andi %gt3A_384, %ge3A_389 : vector<16xi1>
        %jit3A_391 = arith.constant 0 : i32
        %broadcast_in_dim3A_392 = vector.broadcast %jit3A_391 : i32 to vector<16xi32>
        %select_n3A_393 = arith.select %and3A_390, %gather3A_379, %broadcast_in_dim3A_392 : vector<16xi1>, vector<16xi32>
        %swap3A_394 = arith.index_cast %add3A_369 : i32 to index
        %swap3A_395 = tpu.vector_load %arg16[%swap3A_394] {strides = array<i32>} : memref<1024xi32, #tpu.memory_space<vmem>>, vector<16xi32>,
        tpu.vector_store %arg16[%swap3A_394], %select_n3A_393 {strides = array<i32>} : memref<1024xi32, #tpu.memory_space<vmem>>, vector<16xi32>,
        %jit3A_396 = arith.constant 0.000000e+00 : f32
        %broadcast_in_dim3A_397 = vector.broadcast %jit3A_396 : f32 to vector<16xf32>
        %select_n3A_398 = arith.select %and3A_390, %get3A_386, %broadcast_in_dim3A_397 : vector<16xi1>, vector<16xf32>
        %swap3A_399 = arith.index_cast %add3A_369 : i32 to index
        %swap3A_400 = tpu.vector_load %arg17[%swap3A_399] {strides = array<i32>} : memref<1024xf32, #tpu.memory_space<vmem>>, vector<16xf32>,
        tpu.vector_store %arg17[%swap3A_399], %select_n3A_398 {strides = array<i32>} : memref<1024xf32, #tpu.memory_space<vmem>>, vector<16xf32>,
        %jit3A_401 = arith.constant -1 : i32
        %broadcast_in_dim3A_402 = vector.broadcast %jit3A_401 : i32 to vector<16xi32>
        %select_n3A_403 = arith.select %and3A_390, %gather3A_379, %broadcast_in_dim3A_402 : vector<16xi1>, vector<16xi32>
        %swap3A_404 = arith.index_cast %add3A_369 : i32 to index
        %swap3A_405 = tpu.vector_load %arg18[%swap3A_404] {strides = array<i32>} : memref<1024xi32, #tpu.memory_space<vmem>>, vector<16xi32>,
        tpu.vector_store %arg18[%swap3A_404], %select_n3A_403 {strides = array<i32>} : memref<1024xi32, #tpu.memory_space<vmem>>, vector<16xi32>,
      }
      %scan3A_51 = arith.constant 8 : i32
      %dma_start3A_52 = arith.constant 0 : i32
      %dma_start3A_53 = arith.constant 0 : i32
      %dma_start3A_54 = tpu.memref_slice %arg4[%dma_start3A_52, %dma_start3A_53] : memref<100000x32xf32, #tpu.memory_space<hbm>> -> memref<100000x32xf32, #tpu.memory_space<hbm>>
      tpu.enqueue_indirect_dma source(%dma_start3A_54 : memref<100000x32xf32, #tpu.memory_space<hbm>>) target(%arg20 : memref<1024x32xf32, #tpu.memory_space<vmem>>) offsets(%arg16 : memref<1024xi32, #tpu.memory_space<vmem>>) semaphore(%arg23 : memref<!tpu.dma_semaphore, #tpu.memory_space<semaphore_mem>>)
      %dma_wait3A_55 = arith.constant 0 : i32
      %dma_wait3A_56 = arith.constant 0 : i32
      %dma_wait3A_57 = tpu.memref_slice %arg4[%dma_wait3A_55, %dma_wait3A_56] : memref<100000x32xf32, #tpu.memory_space<hbm>> -> memref<100000x32xf32, #tpu.memory_space<hbm>>
      tpu.wait_indirect_dma semaphore(%arg23 : memref<!tpu.dma_semaphore, #tpu.memory_space<semaphore_mem>>) src(%dma_wait3A_57 : memref<100000x32xf32, #tpu.memory_space<hbm>>) dst(%arg20 : memref<1024x32xf32, #tpu.memory_space<vmem>>)
      %scan3A_58 = arith.constant 0 : i32
      %scan3A_59 = arith.constant 0 : i32
      %scan3A_60 = arith.constant 0 : i32
      %scan3A_61 = arith.addi %scan3A_59, %scan3A_60 : i32
      %scan3A_62 = arith.constant 0 : i32
      %dma_start3A_63 = arith.constant 0 : i32
      %dma_start3A_64 = tpu.memref_slice %arg6[%mul3A_19, %dma_start3A_63] : memref<200704x32xf32, #tpu.memory_space<hbm>> -> memref<128x32xf32, #tpu.memory_space<hbm>>
      %dma_start3A_65 = arith.constant 0 : i32
      %dma_start3A_66 = tpu.memref_slice %arg6[%mul3A_19, %dma_start3A_65] : memref<200704x32xf32, #tpu.memory_space<hbm>> -> memref<128x32xf32, #tpu.memory_space<hbm>>
      tpu.enqueue_dma source(%arg21 : memref<128x32xf32, #tpu.memory_space<vmem>>) target(%dma_start3A_66 : memref<128x32xf32, #tpu.memory_space<hbm>>) target_semaphore(%arg24 : memref<!tpu.dma_semaphore, #tpu.memory_space<semaphore_mem>>)
      %dma_start3A_67 = arith.constant 0 : i32
      %dma_start3A_68 = tpu.memref_slice %arg7[%add3A_17, %dma_start3A_67] : memref<1568x1024xi32, #tpu.memory_space<hbm>> -> memref<1x1024xi32, #tpu.memory_space<hbm>>
      %dma_start3A_69 = tpu.memref_squeeze %dma_start3A_68 : memref<1x1024xi32, #tpu.memory_space<hbm>> -> memref<1024xi32, #tpu.memory_space<hbm>>
      %dma_start3A_70 = arith.constant 0 : i32
      %dma_start3A_71 = tpu.memref_slice %arg7[%add3A_17, %dma_start3A_70] : memref<1568x1024xi32, #tpu.memory_space<hbm>> -> memref<1x1024xi32, #tpu.memory_space<hbm>>
      %dma_start3A_72 = tpu.memref_squeeze %dma_start3A_71 : memref<1x1024xi32, #tpu.memory_space<hbm>> -> memref<1024xi32, #tpu.memory_space<hbm>>
      tpu.enqueue_dma source(%arg18 : memref<1024xi32, #tpu.memory_space<vmem>>) target(%dma_start3A_72 : memref<1024xi32, #tpu.memory_space<hbm>>) target_semaphore(%arg24 : memref<!tpu.dma_semaphore, #tpu.memory_space<semaphore_mem>>)
      %dma_start3A_73 = arith.constant 0 : i32
      %dma_start3A_74 = tpu.memref_slice %arg8[%add3A_17, %dma_start3A_73] : memref<1568x1024xf32, #tpu.memory_space<hbm>> -> memref<1x1024xf32, #tpu.memory_space<hbm>>
      %dma_start3A_75 = tpu.memref_squeeze %dma_start3A_74 : memref<1x1024xf32, #tpu.memory_space<hbm>> -> memref<1024xf32, #tpu.memory_space<hbm>>
      %dma_start3A_76 = arith.constant 0 : i32
      %dma_start3A_77 = tpu.memref_slice %arg8[%add3A_17, %dma_start3A_76] : memref<1568x1024xf32, #tpu.memory_space<hbm>> -> memref<1x1024xf32, #tpu.memory_space<hbm>>
      %dma_start3A_78 = tpu.memref_squeeze %dma_start3A_77 : memref<1x1024xf32, #tpu.memory_space<hbm>> -> memref<1024xf32, #tpu.memory_space<hbm>>
      tpu.enqueue_dma source(%arg17 : memref<1024xf32, #tpu.memory_space<vmem>>) target(%dma_start3A_78 : memref<1024xf32, #tpu.memory_space<hbm>>) target_semaphore(%arg24 : memref<!tpu.dma_semaphore, #tpu.memory_space<semaphore_mem>>)
      %dma_wait3A_79 = arith.constant 0 : i32
      %dma_wait3A_80 = tpu.memref_slice %arg6[%mul3A_19, %dma_wait3A_79] : memref<200704x32xf32, #tpu.memory_space<hbm>> -> memref<128x32xf32, #tpu.memory_space<hbm>>
      %dma_wait3A_81 = arith.constant 0 : i32
      %dma_wait3A_82 = tpu.memref_slice %arg6[%mul3A_19, %dma_wait3A_81] : memref<200704x32xf32, #tpu.memory_space<hbm>> -> memref<128x32xf32, #tpu.memory_space<hbm>>
      tpu.wait_dma2 semaphore(%arg24 : memref<!tpu.dma_semaphore, #tpu.memory_space<semaphore_mem>>) src(%arg21 : memref<128x32xf32, #tpu.memory_space<vmem>>) dst(%dma_wait3A_82 : memref<128x32xf32, #tpu.memory_space<hbm>>)
      %dma_wait3A_83 = arith.constant 0 : i32
      %dma_wait3A_84 = tpu.memref_slice %arg7[%add3A_17, %dma_wait3A_83] : memref<1568x1024xi32, #tpu.memory_space<hbm>> -> memref<1x1024xi32, #tpu.memory_space<hbm>>
      %dma_wait3A_85 = tpu.memref_squeeze %dma_wait3A_84 : memref<1x1024xi32, #tpu.memory_space<hbm>> -> memref<1024xi32, #tpu.memory_space<hbm>>
      %dma_wait3A_86 = arith.constant 0 : i32
      %dma_wait3A_87 = tpu.memref_slice %arg7[%add3A_17, %dma_wait3A_86] : memref<1568x1024xi32, #tpu.memory_space<hbm>> -> memref<1x1024xi32, #tpu.memory_space<hbm>>
      %dma_wait3A_88 = tpu.memref_squeeze %dma_wait3A_87 : memref<1x1024xi32, #tpu.memory_space<hbm>> -> memref<1024xi32, #tpu.memory_space<hbm>>
      tpu.wait_dma2 semaphore(%arg24 : memref<!tpu.dma_semaphore, #tpu.memory_space<semaphore_mem>>) src(%arg18 : memref<1024xi32, #tpu.memory_space<vmem>>) dst(%dma_wait3A_88 : memref<1024xi32, #tpu.memory_space<hbm>>)
      %dma_wait3A_89 = arith.constant 0 : i32
      %dma_wait3A_90 = tpu.memref_slice %arg8[%add3A_17, %dma_wait3A_89] : memref<1568x1024xf32, #tpu.memory_space<hbm>> -> memref<1x1024xf32, #tpu.memory_space<hbm>>
      %dma_wait3A_91 = tpu.memref_squeeze %dma_wait3A_90 : memref<1x1024xf32, #tpu.memory_space<hbm>> -> memref<1024xf32, #tpu.memory_space<hbm>>
      %dma_wait3A_92 = arith.constant 0 : i32
      %dma_wait3A_93 = tpu.memref_slice %arg8[%add3A_17, %dma_wait3A_92] : memref<1568x1024xf32, #tpu.memory_space<hbm>> -> memref<1x1024xf32, #tpu.memory_space<hbm>>
      %dma_wait3A_94 = tpu.memref_squeeze %dma_wait3A_93 : memref<1x1024xf32, #tpu.memory_space<hbm>> -> memref<1024xf32, #tpu.memory_space<hbm>>
      tpu.wait_dma2 semaphore(%arg24 : memref<!tpu.dma_semaphore, #tpu.memory_space<semaphore_mem>>) src(%arg17 : memref<1024xf32, #tpu.memory_space<vmem>>) dst(%dma_wait3A_94 : memref<1024xf32, #tpu.memory_space<hbm>>)
    }
    %scan3A_7 = arith.constant 49 : i32
    %barrier3A_8 = arith.constant 0 : index
    tpu.barrier barrier_id(%barrier3A_8)
    %eq3A_9 = arith.constant 0 : i32
    %eq3A_10 = arith.cmpi eq, %arg1, %eq3A_9 : i32
    %convert_element_type3A_11 = arith.extui %eq3A_10 : i1 to i32
    %cond3A_12 = arith.constant 0 : i32
    %cond3A_13 = arith.cmpi ne, %convert_element_type3A_11, %cond3A_12 : i32
    scf.if %cond3A_13 {
      "tpu.region"() ({
        %run_scoped3A = tpu.sem_alloc : memref<!tpu.dma_semaphore, #tpu.memory_space<semaphore_mem>>
        %dma_start3A = arith.constant 0 : i32
        %dma_start3A_14 = tpu.memref_slice %arg9[%arg0, %dma_start3A] : memref<2x100000xf32, #tpu.memory_space<hbm>> -> memref<1x100000xf32, #tpu.memory_space<hbm>>
        %dma_start3A_15 = tpu.memref_squeeze %dma_start3A_14 : memref<1x100000xf32, #tpu.memory_space<hbm>> -> memref<100000xf32, #tpu.memory_space<hbm>>
        tpu.enqueue_dma source(%arg10 : memref<100000xf32, #tpu.memory_space<vmem_shared>>) target(%dma_start3A_15 : memref<100000xf32, #tpu.memory_space<hbm>>) target_semaphore(%run_scoped3A : memref<!tpu.dma_semaphore, #tpu.memory_space<semaphore_mem>>)
        %dma_wait3A = arith.constant 0 : i32
        %dma_wait3A_16 = tpu.memref_slice %arg9[%arg0, %dma_wait3A] : memref<2x100000xf32, #tpu.memory_space<hbm>> -> memref<1x100000xf32, #tpu.memory_space<hbm>>
        %dma_wait3A_17 = tpu.memref_squeeze %dma_wait3A_16 : memref<1x100000xf32, #tpu.memory_space<hbm>> -> memref<100000xf32, #tpu.memory_space<hbm>>
        tpu.wait_dma2 semaphore(%run_scoped3A : memref<!tpu.dma_semaphore, #tpu.memory_space<semaphore_mem>>) src(%arg10 : memref<100000xf32, #tpu.memory_space<vmem_shared>>) dst(%dma_wait3A_17 : memref<100000xf32, #tpu.memory_space<hbm>>)
        tpu.yield
      }) : () -> ()
    } else {
    }
    return
  }
}

</mosaic_0001>

<sc_bundles>
// kernel: kernel.3.cloned.1.call-start
scs
__scs_entry_jumppad:
0x0: {  	(pc) =	sbr.rel $0x88, $3  }
0x1: {  	(tag) =	ssettag $0x0;
	lr =	simm.s32 $0x1  }
0x2: {  	[smem:$0x3F9E] =	sst lr;
	_ =	strace $0xD0000000  }
0x3: {  	_ = 	snop  }
0x4: {  	_ = 	snop  }
0x5: {  	_ = 	snop  }
0x6: {  	_ = 	snop  }
0x7: {  	_ = 	snop  }
__scs_overlays_trampoline_lowered:
0x8: {  	[smem:$0x3FAD] =	sst s0  }
0x9: {  	[smem:$0x3FAE] =	sst s1  }
0xa: {  	[smem:$0x3FAF] =	sst s2  }
0xb: {  	[smem:$0x3FB0] =	sst s3  }
0xc: {  	[smem:$0x3FB1] =	sst s4  }
0xd: {  	[smem:$0x3FB2] =	sst s5  }
0xe: {  	[smem:$0x3FB3] =	sst s6  }
0xf: {  	[smem:$0x3FB4] =	sst s7  }
0x10: {  	[smem:$0x3FB5] =	sst s8  }
0x11: {  	[smem:$0x3FB6] =	sst s9;
	s0 =	simm.s32 @!p0 $0x0  }
0x12: {  	s1 =	sld [smem:$0x3F9C];
	s0 =	simm.s32 @p0 $0x1  }
0x13: {  	[smem:$0x3FB7] =	sst s0;
	s0 =	simm.s32 @!p1 $0x0  }
0x14: {  	s2 =	sld [smem:$0x3F9B];
	s0 =	simm.s32 @p1 $0x1  }
0x15: {  	[smem:$0x3FB8] =	sst s0;
	s0 =	simm.s32 @!p2 $0x0  }
0x16: {  	s3 =	sld [smem:$0x3FDB];
	s0 =	simm.s32 @p2 $0x1  }
0x17: {  	s4 =	simm.s32 $0x1BF5;
	[smem:$0x3FBA] =	sst s0  }
0x18: {  	s0 =	sld [smem:$0x3F9D];
	_ =	swait.ge [sflag:s4], $0x0  }
0x19: {  	s7 =	sld [smem:$0x3F9E]  }
0x1a: {  	s8 =	sadd.s32 $0xFFFFE003, lr  }
0x1b: {  	s9 =	sadd.s32 $0xFFFFFEF7, lr;
	s5 =	simm.s32 $0xFFFFFFFF;
	p2 =	slt.u32 s8, $0xFFFFF086  }
0x1c: {  	p1 =	slt.u32 s9, $0xF7A;
	s5 =	simm.s32 @!p2 $0x0  }
0x1d: {  	s5 =	simm.s32 @p1 $0x1;
	p0 =	seq.s32 s7, s2  }
0x1e: {  	s7 =	smul.u32 @!p0 $0xF7A, s2;
	p2 =	seq.s32 @!p0 s5, $0x0  }
0x1f: {  	s9 =	smul.u32 $0xF7A, s1;
	s8 =	simm.s32 @!p0 $0x1BF5;
	p2 =	por !p2, p0  }
0x20: {  	[sflag:s8] =	ssyncset.s32 @!p0 $0xFFFFF086;
	s6 =	sadd.s32 @!p0 s3, s7;
	s7 =	simm.s32 @!p0 $0x108  }
0x21: {  	s3 =	sadd.s32 s3, s9;
	s6 =	sadd.s32 @!p0 $0x88, s6;
	s7 =	simm.s32 @p2 $0x1082  }
0x22: {  	[simem:s7], [sflag:s8] =	dma.local @!p0 [hbm:s6], $0xF7A  }
0x23: {  	s9 =	sor.u32 $0xD0000000, s2;
	s6 =	simm.s32 $0x108;
	_ =	swait.ge @!p0 [sflag:s8], $0x0  }
0x24: {  	s3 =	sadd.s32 $0x88, s3;
	s6 =	simm.s32 @!p1 $0x1082;
	[sflag:s4] =	ssyncset.s32 $0xFFFFF086  }
0x25: {  	[simem:s6], [sflag:s4] =	dma.local [hbm:s3], $0xF7A  }
0x26: {  	[smem:$0x3F9E] =	sst s1;
	(tag) =	ssettag s2;
	_ =	strace s9  }
0x27: {  	s1 =	sld [smem:$0x3FAE]  }
0x28: {  	s2 =	sld [smem:$0x3FAF]  }
0x29: {  	s4 =	sld [smem:$0x3FB1]  }
0x2a: {  	p0 =	seq.s32 s5, $0x0;
	s5 =	sld [smem:$0x3FB2]  }
0x2b: {  	s6 =	sld [smem:$0x3FB3]  }
0x2c: {  	s7 =	sld [smem:$0x3FB4]  }
0x2d: {  	s3 =	simm.s32 $0x108;
	s8 =	sld [smem:$0x3FB5]  }
0x2e: {  	s3 =	simm.s32 @!p0 $0x1082;
	s9 =	sld [smem:$0x3FB6]  }
0x2f: {  	lr =	sadd.s32 s0, s3;
	s0 =	sld [smem:$0x3FAD]  }
0x30: {  	s3 =	sld [smem:$0x3FB0]  }
0x31: {  	[smem:$0x3FB9] =	sst s10  }
0x32: {  	s10 =	sld [smem:$0x3FB7];
	_ =	sdelay $0x3  }
0x33: {  	p0 =	seq.s32 s10, $0x1;
	s10 =	sld [smem:$0x3FB9];
	_ =	sdelay $0x3  }
0x34: {  	[smem:$0x3FB9] =	sst s10  }
0x35: {  	s10 =	sld [smem:$0x3FB8];
	_ =	sdelay $0x3  }
0x36: {  	p1 =	seq.s32 s10, $0x1;
	s10 =	sld [smem:$0x3FB9];
	_ =	sdelay $0x3  }
0x37: {  	[smem:$0x3FB9] =	sst s10  }
0x38: {  	s10 =	sld [smem:$0x3FBA]  }
0x39: {  	_ = 	snop;
	(pc) =	sbr.ind lr, $3  }
0x3a: {  	_ = 	snop  }
0x3b: {  	_ = 	snop  }
0x3c: {  	p2 =	seq.s32 s10, $0x1;
	s10 =	sld [smem:$0x3FB9]  }
0x3d: {  	_ =	shalt  }
0x3e: {  	_ =	shalt  }
0x3f: {  	_ =	shalt  }
0x40: {  	_ =	shalt  }
0x41: {  	_ =	shalt  }
0x42: {  	_ =	shalt  }
0x43: {  	_ =	shalt  }
0x44: {  	_ =	shalt  }
0x45: {  	_ =	shalt  }
0x46: {  	_ =	shalt  }
0x47: {  	_ =	shalt  }
0x48: {  	_ =	shalt  }
0x49: {  	_ =	shalt  }
0x4a: {  	_ =	shalt  }
0x4b: {  	_ =	shalt  }
0x4c: {  	_ =	shalt  }
0x4d: {  	_ =	shalt  }
0x4e: {  	_ =	shalt  }
0x4f: {  	_ =	shalt  }
0x50: {  	_ =	shalt  }
0x51: {  	_ =	shalt  }
0x52: {  	_ =	shalt  }
0x53: {  	_ =	shalt  }
0x54: {  	_ =	shalt  }
0x55: {  	_ =	shalt  }
0x56: {  	_ =	shalt  }
0x57: {  	_ =	shalt  }
0x58: {  	_ =	shalt  }
0x59: {  	_ =	shalt  }
0x5a: {  	_ =	shalt  }
0x5b: {  	_ =	shalt  }
0x5c: {  	_ =	shalt  }
0x5d: {  	_ =	shalt  }
0x5e: {  	_ =	shalt  }
0x5f: {  	_ =	shalt  }
0x60: {  	_ =	shalt  }
0x61: {  	_ =	shalt  }
0x62: {  	_ =	shalt  }
0x63: {  	_ =	shalt  }
0x64: {  	_ =	shalt  }
0x65: {  	_ =	shalt  }
0x66: {  	_ =	shalt  }
0x67: {  	_ =	shalt  }
0x68: {  	_ =	shalt  }
0x69: {  	_ =	shalt  }
0x6a: {  	_ =	shalt  }
0x6b: {  	_ =	shalt  }
0x6c: {  	_ =	shalt  }
0x6d: {  	_ =	shalt  }
0x6e: {  	_ =	shalt  }
0x6f: {  	_ =	shalt  }
0x70: {  	_ =	shalt  }
0x71: {  	_ =	shalt  }
0x72: {  	_ =	shalt  }
0x73: {  	_ =	shalt  }
0x74: {  	_ =	shalt  }
0x75: {  	_ =	shalt  }
0x76: {  	_ =	shalt  }
0x77: {  	_ =	shalt  }
0x78: {  	_ =	shalt  }
0x79: {  	_ =	shalt  }
0x7a: {  	_ =	shalt  }
0x7b: {  	_ =	shalt  }
0x7c: {  	_ =	shalt  }
0x7d: {  	_ =	shalt  }
0x7e: {  	_ =	shalt  }
0x7f: {  	_ =	shalt  }
0x80: {  	_ =	shalt  }
0x81: {  	_ =	shalt  }
0x82: {  	_ =	shalt  }
0x83: {  	_ =	shalt  }
0x84: {  	_ =	shalt  }
0x85: {  	_ =	shalt  }
0x86: {  	_ =	shalt  }
0x87: {  	_ =	shalt  }
.Lfunc_end0:
.L_simem_size_0:
called_computation_lowered:
.L_overlay_start_0:
0x88: {  	s2 =	sld [smem:$0x3FD9]  }
0x89: {  	s3 =	sld [smem:$0x3FFE];
	_ =	sdelay $0x1  }
0x8a: {  	s1 =	srdreg.scid  }
0x8b: {  	s0 =	sand.u32 $0x1, s1  }
0x8c: {  	s14 =	sshll.u32 s0, $0xA;
	s2 =	sadd.s32 s3, s2  }
0x8d: {  	s2 =	sadd.s32 s2, s14  }
0x8e: {  	[smem:$0x3FC5] =	sst s2  }
0x8f: {  	_ = 	snop  }
0x90: {  	s2 =	sld [smem:$0x3FD0];
	_ =	sdelay $0x2  }
0x91: {  	s15 =	simm.s32 $0xA;
	s4 =	simm.s32 $0x10  }
0x92: {  	[smem:s4], [sflag:s15] =	dma.local [hbm:s2], $0x1  }
0x93: {  	_ =	swait.eq [sflag:s15], $0x1  }
0x94: {  	s16 =	sld [smem:$0x10];
	[sflag:s15] =	ssyncset.done $0x0  }
0x95: {  	s17 =	sld [smem:$0x12];
	[sflag:s15] =	ssyncadd.s32 $0xFFFFFFFF  }
0x96: {  	s18 =	sld [smem:$0x13];
	(tm) =	ssettm $0x1  }
0x97: {  	s5 =	sld [smem:$0x3FFB];
	_ =	sdelay $0x3  }
0x98: {  	_ =	strace s5  }
0x99: {  	s5 =	sld [smem:$0x3FFC];
	_ =	sdelay $0x3  }
0x9a: {  	_ =	strace s5  }
0x9b: {  	s5 =	sld [smem:$0x3FFD];
	_ =	sdelay $0x3  }
0x9c: {  	_ =	strace s5  }
0x9d: {  	_ =	strace $0x8FFFFFFF  }
0x9e: {  	s19 =	sld [smem:$0x3FDB];
	_ =	sdelay $0x1  }
0x9f: {  	s6 =	simm.s32 $_scs_section_size  }
0xa0: {  	s7 =	simm.s32 $_size__tile_overlayer_lowered;
	s8 =	simm.s32 $_tile_overlayer_lowered  }
0xa1: {  	s22 =	simm.s32 $0x1BFF;
	s21 =	sshll.u32 s8, $0x1;
	s5 =	sadd.s32 s6, s19  }
0xa2: {  	s9 =	simm.s32 $0x0;
	s20 =	sshll.u32 s7, $0x1;
	s7 =	sadd.s32 s21, s5  }
0xa3: {  	[timem:s9], [sflag:s22] =	dma.local [hbm:s7], s20  }
0xa4: {  	_ =	swait.ge [sflag:s22], s20  }
0xa5: {  	s6 =	ssub.s32 $0x0, s20;
	[sflag:s22] =	ssyncset.done $0x0  }
0xa6: {  	[sflag:s22] =	ssyncadd.s32 s6;
	_ =	sdelay $0x1  }
0xa7: {  	s23 =	simm.s32 $0x1B8B  }
0xa8: {  	_ =	swait.ge [sflag:s23], $0x1  }
0xa9: {  	[sflag:s23] =	ssyncset.done $0x0  }
0xaa: {  	s25 =	simm.s32 $0x1B8E;
	s24 =	sld [smem:$0x3FFE];
	[sflag:s23] =	ssyncadd.s32 $0xFFFFFFFF  }
0xab: {  	s26 =	simm.s32 $execute0_lowered;
	[smem:$0x3FD2] =	sst s25  }
0xac: {  	s7 =	sshll.u32 s26, $0x1;
	_ =	strace $0x80000046;
	[dreg:$0x1] =	wrdreg $0xFFFFFFFF  }
0xad: {  	s28 =	simm.s32 $_size_execute0_lowered;
	s5 =	sadd.s32 s5, s7;
	[dreg:$0x0] =	wrdreg $0x0  }
0xae: {  	s7 =	sshll.u32 s28, $0x1;
	[dreg:$0x2] =	wrdreg s5  }
0xaf: {  	[dreg:$0x3] =	wrdreg s7  }
0xb0: {  	[dreg:$0x4] =	wrdreg $0xC0  }
0xb1: {  	_ =	task [dreg:s9], $0x5FFFF  }
0xb2: {  	[dreg:$0x1] =	wrdreg $0xFFFFFFFF  }
0xb3: {  	[dreg:$0x0] =	wrdreg $0x60  }
0xb4: {  	[dreg:$0x2] =	wrdreg s24  }
0xb5: {  	[dreg:$0x3] =	wrdreg s17  }
0xb6: {  	[dreg:$0x4] =	wrdreg s16  }
0xb7: {  	[dreg:$0x5] =	wrdreg s18  }
0xb8: {  	[dreg:$0x6] =	wrdreg $0x0  }
0xb9: {  	[dreg:$0x7] =	wrdreg $0x9  }
0xba: {  	_ =	task.clear_ibuf [dreg:s9], $0x8FFFF;
	_ =	strace $0x90000046  }
0xbb: {  	s29 =	simm.s32 $0x9;
	_ =	strace $0x80000048  }
0xbc: {  	_ =	swait.ge [sflag:s29], $0x1  }
0xbd: {  	[sflag:s29] =	ssyncadd.s32 $0xFFFFFFFF  }
0xbe: {  	_ =	strace $0x90000048  }
0xbf: {  	_ =	sfence  }
0xc0: {  	s30 =	sld [smem:$0x0];
	_ =	sdelay $0x2  }
0xc1: {  	s31 =	sshll.u32 s1, $0xD;
	s1 =	sshrl.u32 s1, $0x2  }
0xc2: {  	s3 =	sand.u32 $0x4000, s31;
	s1 =	sadd.s32 s1, s30  }
0xc3: {  	s0 =	sor.u32 s3, s0;
	s1 =	sshll.u32 s1, $0x11  }
0xc4: {  	s0 =	sor.u32 s1, s0  }
0xc5: {  	s0 =	sadd.s32 $0x8F2B, s0  }
0xc6: {  	[sflag:s0] =	ssyncadd.remote.s32 $0x1  }
0xc7: {  	_ =	sfence.sel $0xFFFF  }
0xc8: {  	[dreg:$0x0] =	wrdreg $0xFFFFFFFF;
	(pc) =	sbr.abs _section_cstart, $3  }
0xc9: {  	[dreg:$0x1] =	wrdreg $0xFFFFFFFF  }
0xca: {  	_ =	task.clear_ibuf [dreg:s9], $0x2FFFF;
	_ =	strace $0x9FFFFFFF  }
0xcb: {  	(tm) =	ssettm $0x7FFFFFFF  }
tec
execute0_lowered:
.L_overlay_start_1:
0x0: {  	(tag) =	ssettag $0x1  }
0x1: {  	s1 =	rddreg [dreg:$0x0]  }
0x2: {  	s2 =	rddreg [dreg:$0x1]  }
0x3: {  	s3 =	rddreg [dreg:$0x2]  }
0x4: {  	s0 =	rddreg [dreg:$0x4];
	s5 =	simm.s32 $0x0  }
0x5: {  	s4 =	srdreg.scid;
	s10 =	stileid.u32;
	s15 =	simm.s32 $0x400  }
0x6: {  	s16 =	simm.s32 $0x1A70;
	s17 =	simm.s32 $0x3670;
	s18 =	simm.s32 $0x2  }
0x7: {  	s19 =	simm.s32 $0x2A70;
	s20 =	simm.s32 $0x7670;
	s21 =	simm.s32 $0xF670  }
0x8: {  	s22 =	simm.s32 $0x3270;
	s23 =	simm.s32 $0x2E70;
	s24 =	simm.s32 $0x3  }
0x9: {  	s25 =	simm.s32 $0x0;
	[smem:$0x7FF] =	sst s5;
	s6 =	sadd.s32 $0x9E200, s1  }
0xa: {  	s7 =	sadd.s32 $0x36000, s1;
	s4 =	sand.u32 $0x1, s4;
	s8 =	sadd.s32 $0x6D200, s1  }
0xb: {  	s13 =	sshll.u32 s10, $0x1;
	p0 =	sne.s32 s10, $0x0;
	s9 =	smul.u32 $0x30D4, s4  }
0xc: {  	_ =	strace $0x80000047;
	s11 =	ssub.s32 $0x2, s4;
	s4 =	sor.u32 s4, s13  }
0xd: {  	s10 =	sshrl.u32 @!p0 s0, $0x3;
	s12 =	sshrl.u32 s11, $0x1;
	s14 =	sadd.s32 s9, s1  }
0xe: {  	[dreg:$0x8] =	wrdreg s10;
	s11 =	ssub.s32 s11, s12;
	s30 =	sadd.s32 $0x67000, s14  }
0xf: {  	v1 =	vlaneseq.u32;
	s13 =	simm.s32 $0x1870;
	s31 =	smax.u32 s11, $0x1;
	[dreg:$0x6] =	wrdreg s30  }
0x10: {  	v0 =	vimm.s32 $0x0;
	v1 =	vmul.u32 $0x10, v1;
	s9 =	smul.u32 $0x31, s4;
	s14 =	simm.s32 $0x1;
	[dreg:$0x7] =	wrdreg s31  }
.LBB2_1:
0x11: {  	s0 =	simm.s32 @!p0 $0x1C04;
	s4 =	rddreg [dreg:$0x3]  }
0x12: {  	[spmem:s10], [sflag:s0] =	dma.local @!p0 [hbm:s4], $0x30D4  }
0x13: {  	s0 =	simm.s32 @!p0 $0x4  }
0x14: {  	_ =	swait.ge @!p0 [sflag:s0], $0x30D4  }
0x15: {  	[sflag:s0] =	ssyncset.done @!p0 $0x0  }
0x16: {  	[sflag:s0] =	ssyncadd.s32 @!p0 $0xFFFFCF2C  }
0x17: {  	s26 =	simm.s32 $0x0;
	[bflag:$0x0] =	sbarrier.arrive $0xFFFF  }
.LBB2_2:
0x18: {  	s28 =	sadd.s32 s9, s26  }
0x19: {  	s0 =	sshll.u32 s28, $0x6  }
0x1a: {  	s4 =	simm.s32 $0x0;
	s0 =	sadd.s32 s2, s0  }
0x1b: {  	[tilespmem:s13], [sflag:$0x1] =	stream.linear.gather [hbm4b:s0+s4], $0x200, $0x38;
	[tilespmem:$0x10670] =	vst v63  }
0x1c: {  	_ =	swait.ge [sflag:s14], $0x200  }
0x1d: {  	[sflag:s14] =	ssyncset.done $0x0  }
0x1e: {  	s29 =	simm.s32 $0x0;
	[sflag:s14] =	ssyncadd.s32 $0xFFFFFE00  }
0x1f: {  	v3 =	vld [tilespmem:s29+$0x18F0]  }
0x20: {  	v4 =	vld [tilespmem:s29+$0x1970]  }
0x21: {  	v2 =	vld [tilespmem:s29+$0x1870];
	_ =	sdelay $0x3  }
0x22: {  	v5 =	vld [tilespmem:s29+$0x19F0];
	v6 =	vtrunc.f32 v3;
	v8 =	vtrunc.f32 v4  }
0x23: {  	v2 =	vtrunc.f32 v2;
	v7 =	vcvt.f32.s32 v6;
	vm0 =	vlt.f32 v3, v6  }
0x24: {  	v2 =	vcvt.f32.s32 v2;
	v6 =	vsel vm0, $0xFFFFFFFF, v0;
	vm0 =	vlt.f32 v4, v8  }
0x25: {  	v6 =	vadd.s32 v7, v6;
	v7 =	vcvt.f32.s32 v8;
	v8 =	vsel vm0, $0xFFFFFFFF, v0  }
0x26: {  	v15 =	vmul.u32 $0xD8000, v2;
	v9 =	vadd.s32 $0x1, v6;
	v16 =	vcvt.s32.f32 v6  }
0x27: {  	v7 =	vadd.s32 v7, v8;
	v8 =	vtrunc.f32 v5;
	vm0 =	vgt.s32 v9, $0x0  }
0x28: {  	vm3 =	vlt.u32 v9, $0x60;
	v10 =	vcvt.f32.s32 v8;
	v11 =	vadd.s32 $0x1, v7  }
0x29: {  	v12 =	vnsel vm0, $0x0, v9;
	vm0 =	vlt.f32 v5, v8;
	v18 =	vcvt.s32.f32 v7  }
0x2a: {  	v3 =	vsub.f32 v3, v16;
	vm2 =	vlt.u32 v7, $0x60;
	vm1 =	vgt.s32 v11, $0x0  }
0x2b: {  	v8 =	vmin.u32 v12, $0x5F;
	v12 =	vsel vm0, $0xFFFFFFFF, v0;
	vm0 =	vgt.s32 v6, $0x0  }
0x2c: {  	vm8 =	vmand vm3, vm2;
	v13 =	vnsel vm1, $0x0, v11;
	v8 =	vmul.u32 $0x60, v8  }
0x2d: {  	v10 =	vadd.s32 v10, v12;
	v17 =	vnsel vm0, $0x0, v6;
	vm0 =	vgt.s32 v7, $0x0  }
0x2e: {  	v4 =	vsub.f32 v4, v18;
	v20 =	vsub.f32 $1.000000000e+00, v3;
	v12 =	vmin.u32 v13, $0x5F  }
0x2f: {  	v13 =	vadd.s32 $0x1, v10;
	v17 =	vmin.u32 v17, $0x5F;
	v59 =	vcvt.s32.f32 v10  }
0x30: {  	v60 =	vnsel vm0, $0x0, v7;
	vm0 =	vgt.s32 v10, $0x0;
	v14 =	vadd.s32 v12, v8  }
0x31: {  	vm1 =	vgt.s32 v13, $0x0;
	v57 =	vmul.u32 $0x60, v17;
	v21 =	vsub.f32 $1.000000000e+00, v4  }
0x32: {  	v22 =	vmul.f32 v4, v3;
	vm9 =	vlt.u32 v13, $0x60;
	v14 =	vmul.u32 $0x60, v14  }
0x33: {  	v2 =	vnsel vm1, $0x0, v13;
	v5 =	vsub.f32 v5, v59;
	vm1 =	vlt.u32 v11, $0x60  }
0x34: {  	v11 =	vnsel vm0, $0x0, v10;
	vm0 =	vlt.u32 v6, $0x60;
	v2 =	vmin.u32 v2, $0x5F  }
0x35: {  	v12 =	vadd.s32 v57, v12;
	v61 =	vmul.f32 v21, v20;
	v20 =	vmul.f32 v4, v20  }
0x36: {  	v21 =	vmul.f32 v21, v3;
	v3 =	vmin.u32 v11, $0x5F;
	vm4 =	vmand vm0, vm1  }
0x37: {  	vm0 =	vmand vm0, vm2;
	vm3 =	vmand vm3, vm1;
	vm1 =	vlt.u32 v10, $0x60  }
0x38: {  	v14 =	vadd.s32 v15, v14;
	v12 =	vmul.u32 $0x60, v12;
	v62 =	vsub.f32 $1.000000000e+00, v5  }
0x39: {  	vm6 =	vmand vm1, vm4;
	vm5 =	vmand vm4, vm9;
	v19 =	vadd.s32 v2, v14  }
0x3a: {  	vm7 =	vmand vm8, vm1;
	v58 =	vshrl.u32 v19, $0x4;
	v19 =	vmin.u32 v60, $0x5F  }
0x3b: {  	vm4 =	vmand vm8, vm9;
	vm2 =	vmand vm1, vm3;
	v8 =	vadd.s32 v19, v8  }
0x3c: {  	vm1 =	vmand vm0, vm1;
	v16 =	vadd.s32 v19, v57;
	v8 =	vmul.u32 $0x60, v8  }
0x3d: {  	vm0 =	vmand vm0, vm9;
	v6 =	vadd.s32 v15, v12;
	v16 =	vmul.u32 $0x60, v16  }
0x3e: {  	v63 =	vmul.f32 v5, v20;
	v10 =	vadd.s32 v3, v6;
	v7 =	vadd.s32 v15, v8  }
0x3f: {  	[tilespmem:s29+$0x1DF0] =	vst v58;
	v4 =	vadd.s32 v15, v16;
	v15 =	vmul.f32 v62, v20;
	v12 =	vadd.s32 v3, v7  }
0x40: {  	[tilespmem:s29+$0x27F0] =	vst v63;
	v11 =	vadd.s32 v2, v7;
	v7 =	vadd.s32 v2, v6;
	v6 =	vmul.f32 v61, v5  }
0x41: {  	v9 =	vadd.s32 v3, v4;
	v8 =	vadd.s32 v2, v4;
	v4 =	vmul.f32 v62, v61;
	[tilespmem:s29+$0x2770] =	vst v15  }
0x42: {  	v13 =	vadd.s32 v3, v14;
	v14 =	vmul.f32 v62, v21;
	[tilespmem:s29+$0x26F0] =	vst v6;
	v6 =	vmul.f32 v21, v5  }
0x43: {  	s30 =	simm.s32 $0x10;
	s31 =	simm.s32 $0x80;
	vm3 =	vmand vm3, vm9;
	[tilespmem:s29+$0x2670] =	vst v4;
	v4 =	vmul.f32 v62, v22;
	v5 =	vmul.f32 v5, v22  }
.LBB2_3:
0x44: {  	p1 =	sne.s32 s31, $0x1C0;
	v15 =	vld [tilespmem:s30+$0x18F0];
	v12 =	vshrl.u32 v12, $0x4;
	[tilespmem:s29+$0x2870] =	vst v14;
	v11 =	vshrl.u32 v11, $0x4;
	v13 =	vshrl.u32 v13, $0x4  }
0x45: {  	v9 =	vshrl.u32 v9, $0x4;
	v8 =	vshrl.u32 v8, $0x4;
	v10 =	vshrl.u32 v10, $0x4;
	[tilespmem:s29+$0x1C70] =	vst v12  }
0x46: {  	v14 =	vand.u32 $0xF, v2;
	v2 =	vsel vm6, $0x1, v0;
	v7 =	vshrl.u32 v7, $0x4;
	v12 =	vld [tilespmem:s30+$0x1970];
	[tilespmem:s29+$0x1CF0] =	vst v11  }
0x47: {  	v16 =	vsel vm7, $0x1, v0;
	v17 =	vsel vm4, $0x1, v0;
	v11 =	vsel vm5, $0x1, v0;
	[tilespmem:s29+$0x1D70] =	vst v13  }
0x48: {  	v3 =	vand.u32 $0xF, v3;
	v18 =	vsel vm3, $0x1, v0;
	v13 =	vld [tilespmem:s30+$0x1870];
	[tilespmem:s29+$0x1A70] =	vst v9;
	v9 =	vsel vm2, $0x1, v0  }
0x49: {  	v21 =	vsel vm1, $0x1, v0;
	v19 =	vld [tilespmem:s30+$0x19F0];
	v20 =	vtrunc.f32 v15;
	[tilespmem:s29+$0x1AF0] =	vst v8;
	v8 =	vsel vm0, $0x1, v0  }
0x4a: {  	v22 =	vcvt.f32.s32 v20;
	vm0 =	vlt.f32 v15, v20;
	[tilespmem:s29+$0x1B70] =	vst v10  }
0x4b: {  	v10 =	vsel vm0, $0xFFFFFFFF, v0;
	v20 =	vtrunc.f32 v12;
	[tilespmem:s29+$0x1BF0] =	vst v7  }
0x4c: {  	v7 =	vadd.s32 v22, v10;
	v10 =	vcvt.f32.s32 v20;
	vm0 =	vlt.f32 v12, v20;
	[tilespmem:s29+$0x28F0] =	vst v6  }
0x4d: {  	v6 =	vtrunc.f32 v13;
	v13 =	vsel vm0, $0xFFFFFFFF, v0;
	v20 =	vadd.s32 $0x1, v7;
	[tilespmem:s29+$0x2970] =	vst v4  }
0x4e: {  	v4 =	vadd.s32 v10, v13;
	v10 =	vtrunc.f32 v19;
	vm0 =	vgt.s32 v20, $0x0;
	[tilespmem:s29+$0x29F0] =	vst v5  }
0x4f: {  	v5 =	vcvt.f32.s32 v10;
	v13 =	vadd.s32 $0x1, v4;
	v22 =	vnsel vm0, $0x0, v20;
	[tilespmem:s29+$0x1EF0] =	vst v14  }
0x50: {  	vm0 =	vlt.f32 v19, v10;
	vm1 =	vgt.s32 v13, $0x0;
	v10 =	vmin.u32 v22, $0x5F;
	[tilespmem:s29+$0x2370] =	vst v2  }
0x51: {  	v2 =	vsel vm0, $0xFFFFFFFF, v0;
	v22 =	vnsel vm1, $0x0, v13;
	v10 =	vmul.u32 $0x60, v10;
	[tilespmem:s29+$0x1FF0] =	vst v14  }
0x52: {  	v6 =	vcvt.f32.s32 v6;
	v5 =	vadd.s32 v5, v2;
	v22 =	vmin.u32 v22, $0x5F;
	[tilespmem:s29+$0x23F0] =	vst v11  }
0x53: {  	vm0 =	vgt.s32 v7, $0x0;
	v11 =	vadd.s32 $0x1, v5;
	v2 =	vadd.s32 v22, v10;
	[tilespmem:s29+$0x2470] =	vst v16  }
0x54: {  	v6 =	vmul.u32 $0xD8000, v6;
	vm1 =	vgt.s32 v11, $0x0;
	v16 =	vmul.u32 $0x60, v2;
	[tilespmem:s29+$0x20F0] =	vst v14  }
0x55: {  	v23 =	vcvt.s32.f32 v7;
	v24 =	vnsel vm0, $0x0, v7;
	v2 =	vnsel vm1, $0x0, v11;
	[tilespmem:s29+$0x24F0] =	vst v17  }
0x56: {  	v17 =	vcvt.s32.f32 v4;
	v2 =	vmin.u32 v2, $0x5F;
	v16 =	vadd.s32 v6, v16;
	[tilespmem:s29+$0x2570] =	vst v9  }
0x57: {  	vm0 =	vgt.s32 v4, $0x0;
	v9 =	vmin.u32 v24, $0x5F;
	v24 =	vadd.s32 v2, v16;
	[tilespmem:s29+$0x21F0] =	vst v14  }
0x58: {  	v14 =	vsub.f32 v15, v23;
	v9 =	vmul.u32 $0x60, v9;
	v15 =	vshrl.u32 v24, $0x4;
	[tilespmem:s29+$0x25F0] =	vst v18  }
0x59: {  	v12 =	vsub.f32 v12, v17;
	v17 =	vcvt.s32.f32 v5;
	v18 =	vnsel vm0, $0x0, v4;
	[tilespmem:s30+$0x1DF0] =	vst v15  }
0x5a: {  	v15 =	vmin.u32 v18, $0x5F;
	v18 =	vsub.f32 $1.000000000e+00, v14;
	v22 =	vadd.s32 v9, v22;
	[tilespmem:s29+$0x1E70] =	vst v3  }
0x5b: {  	v23 =	vsub.f32 $1.000000000e+00, v12;
	v9 =	vadd.s32 v15, v9;
	v10 =	vadd.s32 v15, v10;
	[tilespmem:s29+$0x2270] =	vst v21  }
0x5c: {  	v15 =	vsub.f32 v19, v17;
	v9 =	vmul.u32 $0x60, v9;
	v10 =	vmul.u32 $0x60, v10;
	[tilespmem:s29+$0x22F0] =	vst v8  }
0x5d: {  	vm0 =	vgt.s32 v5, $0x0;
	v17 =	vmul.f32 v23, v18;
	v8 =	vmul.u32 $0x60, v22;
	[tilespmem:s29+$0x1F70] =	vst v3  }
0x5e: {  	v18 =	vmul.f32 v12, v18;
	v21 =	vmul.f32 v23, v14;
	v19 =	vsub.f32 $1.000000000e+00, v15;
	[tilespmem:s29+$0x2070] =	vst v3  }
0x5f: {  	vm1 =	vlt.u32 v13, $0x60;
	v23 =	vmul.f32 v12, v14;
	v22 =	vnsel vm0, $0x0, v5;
	[tilespmem:s29+$0x2170] =	vst v3;
	s29 =	smov.u32 s30  }
0x60: {  	vm4 =	vlt.u32 v20, $0x60;
	vm3 =	vlt.u32 v4, $0x60;
	vm0 =	vlt.u32 v7, $0x60  }
0x61: {  	v4 =	vadd.s32 v6, v9;
	v7 =	vadd.s32 v6, v8;
	v6 =	vadd.s32 v6, v10  }
0x62: {  	vm2 =	vmand vm4, vm3;
	vm5 =	vmand vm0, vm1;
	v3 =	vmin.u32 v22, $0x5F  }
0x63: {  	vm8 =	vmand vm4, vm1;
	vm0 =	vmand vm0, vm3;
	vm3 =	vlt.u32 v11, $0x60  }
0x64: {  	vm1 =	vlt.u32 v5, $0x60;
	v11 =	vadd.s32 v2, v6;
	v12 =	vadd.s32 v3, v6  }
0x65: {  	v8 =	vadd.s32 v2, v4;
	v9 =	vadd.s32 v3, v4;
	v13 =	vadd.s32 v3, v16  }
0x66: {  	v4 =	vmul.f32 v19, v17;
	v10 =	vadd.s32 v3, v7;
	v7 =	vadd.s32 v2, v7  }
.Ltmp0:
0x67: {  	v5 =	vmul.f32 v17, v15;
	vm6 =	vmand vm1, vm5;
	v16 =	vmul.f32 v19, v18;
	(pc) =	sbr.rel @p1 .LBB2_3-.Ltmp0, $4  }
0x68: {  	vm5 =	vmand vm5, vm3;
	v14 =	vmul.f32 v19, v21;
	v17 =	vmul.f32 v15, v18;
	[tilespmem:s29+$0x2670] =	vst v4  }
0x69: {  	vm7 =	vmand vm2, vm1;
	v6 =	vmul.f32 v21, v15;
	v4 =	vmul.f32 v19, v23;
	[tilespmem:s29+$0x26F0] =	vst v5  }
0x6a: {  	vm4 =	vmand vm2, vm3;
	vm2 =	vmand vm1, vm8;
	v5 =	vmul.f32 v15, v23;
	[tilespmem:s29+$0x2770] =	vst v16  }
0x6b: {  	vm1 =	vmand vm0, vm1;
	vm0 =	vmand vm0, vm3;
	vm3 =	vmand vm8, vm3;
	s30 =	sshra.s32 s31, $0x2;
	s31 =	sadd.s32 $0x40, s31;
	[tilespmem:s29+$0x27F0] =	vst v17  }
0x6c: {  	v15 =	vld [tilespmem:s30+$0x18F0];
	v12 =	vshrl.u32 v12, $0x4;
	[tilespmem:s29+$0x2870] =	vst v14  }
0x6d: {  	v11 =	vshrl.u32 v11, $0x4;
	[tilespmem:s29+$0x1C70] =	vst v12  }
0x6e: {  	v13 =	vshrl.u32 v13, $0x4;
	v12 =	vld [tilespmem:s30+$0x1970];
	[tilespmem:s29+$0x1CF0] =	vst v11  }
0x6f: {  	v9 =	vshrl.u32 v9, $0x4;
	[tilespmem:s29+$0x1D70] =	vst v13  }
0x70: {  	v8 =	vshrl.u32 v8, $0x4;
	v57 =	vshrl.u32 v10, $0x4;
	v2 =	vand.u32 $0xF, v2;
	v11 =	vld [tilespmem:s30+$0x1870];
	[tilespmem:s29+$0x1A70] =	vst v9  }
0x71: {  	v59 =	vsel vm6, $0x1, v0;
	v7 =	vshrl.u32 v7, $0x4;
	v58 =	vld [tilespmem:s30+$0x19F0];
	[tilespmem:s29+$0x1AF0] =	vst v8;
	v60 =	vtrunc.f32 v15  }
0x72: {  	v61 =	vsel vm5, $0x1, v0;
	[tilespmem:s29+$0x1B70] =	vst v57;
	v16 =	vcvt.f32.s32 v60;
	vm11 =	vlt.f32 v15, v60  }
0x73: {  	v62 =	vsel vm7, $0x1, v0;
	[tilespmem:s29+$0x1BF0] =	vst v7;
	v14 =	vsel vm11, $0xFFFFFFFF, v0;
	v17 =	vtrunc.f32 v12  }
0x74: {  	[tilespmem:s29+$0x28F0] =	vst v6;
	v63 =	vadd.s32 v16, v14;
	v21 =	vcvt.f32.s32 v17;
	vm12 =	vlt.f32 v12, v17  }
0x75: {  	[tilespmem:s29+$0x2970] =	vst v4;
	v22 =	vtrunc.f32 v11;
	v23 =	vsel vm12, $0xFFFFFFFF, v0;
	v16 =	vadd.s32 $0x1, v63  }
0x76: {  	[tilespmem:s29+$0x29F0] =	vst v5;
	v25 =	vtrunc.f32 v58;
	v24 =	vadd.s32 v21, v23;
	vm13 =	vgt.s32 v16, $0x0  }
0x77: {  	[tilespmem:s29+$0x1EF0] =	vst v2;
	v26 =	vcvt.f32.s32 v25;
	v14 =	vadd.s32 $0x1, v24;
	v27 =	vnsel vm13, $0x0, v16  }
0x78: {  	[tilespmem:s29+$0x2370] =	vst v59;
	vm14 =	vlt.f32 v58, v25;
	vm15 =	vgt.s32 v14, $0x0;
	v28 =	vmin.u32 v27, $0x5F  }
0x79: {  	[tilespmem:s29+$0x1FF0] =	vst v2;
	v29 =	vsel vm14, $0xFFFFFFFF, v0;
	v30 =	vnsel vm15, $0x0, v14;
	v11 =	vmul.u32 $0x60, v28  }
0x7a: {  	[tilespmem:s29+$0x23F0] =	vst v61;
	v6 =	vcvt.f32.s32 v22;
	v5 =	vadd.s32 v26, v29;
	v31 =	vmin.u32 v30, $0x5F  }
0x7b: {  	v32 =	vsel vm4, $0x1, v0;
	[tilespmem:s29+$0x2470] =	vst v62;
	v33 =	vadd.s32 $0x1, v5;
	v18 =	vadd.s32 v31, v11  }
0x7c: {  	[tilespmem:s29+$0x20F0] =	vst v2;
	v6 =	vmul.u32 $0xD8000, v6;
	vm9 =	vgt.s32 v33, $0x0;
	v34 =	vmul.u32 $0x60, v18  }
0x7d: {  	v35 =	vsel vm2, $0x1, v0;
	[tilespmem:s29+$0x24F0] =	vst v32;
	v19 =	vcvt.s32.f32 v63;
	v20 =	vnsel vm9, $0x0, v33  }
0x7e: {  	[tilespmem:s29+$0x2570] =	vst v35;
	v36 =	vcvt.s32.f32 v24;
	v20 =	vmin.u32 v20, $0x5F;
	v9 =	vadd.s32 v6, v34  }
0x7f: {  	v37 =	vsel vm3, $0x1, v0;
	[tilespmem:s29+$0x21F0] =	vst v2;
	v2 =	vsub.f32 v15, v19;
	v21 =	vadd.s32 v20, v9  }
0x80: {  	[tilespmem:s29+$0x25F0] =	vst v37;
	v8 =	vsub.f32 v12, v36;
	v39 =	vcvt.s32.f32 v5;
	v38 =	vshrl.u32 v21, $0x4  }
0x81: {  	v3 =	vand.u32 $0xF, v3;
	v41 =	vsub.f32 $1.000000000e+00, v2;
	[tilespmem:s30+$0x1DF0] =	vst v38  }
0x82: {  	v40 =	vsel vm1, $0x1, v0;
	v42 =	vsub.f32 $1.000000000e+00, v8;
	v10 =	vsub.f32 v58, v39;
	[tilespmem:s29+$0x1E70] =	vst v3  }
0x83: {  	v43 =	vsel vm0, $0x1, v0;
	[tilespmem:s29+$0x2270] =	vst v40  }
0x84: {  	v46 =	vmul.f32 v42, v41;
	v22 =	vsub.f32 $1.000000000e+00, v10;
	[tilespmem:s29+$0x22F0] =	vst v43  }
0x85: {  	vm10 =	vgt.s32 v63, $0x0;
	vm1 =	vlt.u32 v63, $0x60;
	v15 =	vmul.f32 v8, v41;
	[tilespmem:s29+$0x1F70] =	vst v3  }
0x86: {  	v44 =	vnsel vm10, $0x0, v63;
	vm11 =	vgt.s32 v24, $0x0;
	v23 =	vmul.f32 v22, v46;
	[tilespmem:s29+$0x2070] =	vst v3  }
0x87: {  	vm12 =	vgt.s32 v5, $0x0;
	v47 =	vmul.f32 v42, v2;
	v48 =	vmul.f32 v22, v15;
	[tilespmem:s29+$0x2170] =	vst v3  }
0x88: {  	vm4 =	vlt.u32 v24, $0x60;
	v49 =	vnsel vm12, $0x0, v5;
	v15 =	vmul.f32 v10, v15;
	[tilespmem:s30+$0x2670] =	vst v23  }
0x89: {  	v45 =	vnsel vm11, $0x0, v24;
	v50 =	vmin.u32 v49, $0x5F;
	v51 =	vmul.f32 v22, v47;
	[tilespmem:s30+$0x2770] =	vst v48  }
0x8a: {  	vm0 =	vlt.u32 v14, $0x60;
	v2 =	vmul.f32 v8, v2;
	v9 =	vadd.s32 v50, v9;
	[tilespmem:s30+$0x27F0] =	vst v15  }
0x8b: {  	vm13 =	vmand vm1, vm0;
	v59 =	vmul.f32 v47, v10;
	v9 =	vshrl.u32 v9, $0x4;
	[tilespmem:s30+$0x2870] =	vst v51  }
0x8c: {  	vm3 =	vlt.u32 v5, $0x60;
	vm15 =	vlt.u32 v16, $0x60;
	v60 =	vmul.f32 v22, v2;
	[tilespmem:s30+$0x1D70] =	vst v9  }
0x8d: {  	vm1 =	vmand vm1, vm4;
	vm12 =	vmand vm15, vm4;
	v2 =	vmul.f32 v10, v2;
	[tilespmem:s30+$0x28F0] =	vst v59  }
0x8e: {  	vm7 =	vlt.u32 v33, $0x60;
	vm0 =	vmand vm15, vm0;
	vm8 =	vmand vm12, vm3;
	[tilespmem:s30+$0x2970] =	vst v60  }
0x8f: {  	vm15 =	vmand vm1, vm3;
	vm1 =	vmand vm1, vm7;
	v61 =	vsel vm8, $0x1, v0;
	[tilespmem:s30+$0x29F0] =	vst v2  }
0x90: {  	v18 =	vmin.u32 v45, $0x5F;
	v63 =	vsel vm1, $0x1, v0;
	v3 =	vmul.f32 v46, v10;
	[tilespmem:s30+$0x2470] =	vst v61  }
0x91: {  	vm14 =	vmand vm3, vm13;
	vm2 =	vmand vm13, vm7;
	v11 =	vadd.s32 v18, v11;
	[tilespmem:s30+$0x22F0] =	vst v63  }
0x92: {  	v11 =	vmul.u32 $0x60, v11;
	v21 =	vmin.u32 v44, $0x5F;
	v2 =	vsel vm14, $0x1, v0;
	[tilespmem:s30+$0x26F0] =	vst v3  }
0x93: {  	v21 =	vmul.u32 $0x60, v21;
	vm14 =	vmand vm3, vm0;
	[tilespmem:s30+$0x2370] =	vst v2;
	v2 =	vsel vm2, $0x1, v0  }
0x94: {  	vm13 =	vmand vm12, vm7;
	v3 =	vadd.s32 v6, v11;
	v62 =	vsel vm14, $0x1, v0;
	[tilespmem:s30+$0x23F0] =	vst v2  }
0x95: {  	v18 =	vadd.s32 v18, v21;
	v52 =	vadd.s32 v50, v3;
	v2 =	vsel vm13, $0x1, v0;
	[tilespmem:s30+$0x2570] =	vst v62  }
0x96: {  	v18 =	vmul.u32 $0x60, v18;
	v3 =	vadd.s32 v20, v3;
	v53 =	vshrl.u32 v52, $0x4;
	[tilespmem:s30+$0x24F0] =	vst v2  }
0x97: {  	v13 =	vadd.s32 v21, v31;
	vm0 =	vmand vm0, vm7;
	v3 =	vshrl.u32 v3, $0x4;
	[tilespmem:s30+$0x1C70] =	vst v53  }
0x98: {  	v13 =	vmul.u32 $0x60, v13;
	v18 =	vadd.s32 v6, v18;
	v2 =	vsel vm0, $0x1, v0;
	[tilespmem:s30+$0x1CF0] =	vst v3  }
0x99: {  	v54 =	vadd.s32 v50, v18;
	[tilespmem:s30+$0x25F0] =	vst v2;
	v2 =	vsel vm15, $0x1, v0  }
0x9a: {  	v3 =	vadd.s32 v6, v13;
	v55 =	vadd.s32 v20, v18;
	v56 =	vshrl.u32 v54, $0x4;
	[tilespmem:s30+$0x2270] =	vst v2  }
0x9b: {  	v57 =	vadd.s32 v50, v3;
	v6 =	vshrl.u32 v55, $0x4;
	[tilespmem:s30+$0x1A70] =	vst v56  }
0x9c: {  	v3 =	vadd.s32 v20, v3;
	v58 =	vshrl.u32 v57, $0x4;
	[tilespmem:s30+$0x1AF0] =	vst v6  }
0x9d: {  	v3 =	vshrl.u32 v3, $0x4;
	[tilespmem:s30+$0x1B70] =	vst v58  }
0x9e: {  	[tilespmem:s30+$0x1BF0] =	vst v3;
	v3 =	vand.u32 $0xF, v20  }
0x9f: {  	[tilespmem:s30+$0x1EF0] =	vst v3  }
0xa0: {  	[tilespmem:s30+$0x1FF0] =	vst v3  }
0xa1: {  	[tilespmem:s30+$0x20F0] =	vst v3  }
0xa2: {  	[tilespmem:s30+$0x21F0] =	vst v3;
	v3 =	vand.u32 $0xF, v50  }
0xa3: {  	[tilespmem:s30+$0x1E70] =	vst v3  }
0xa4: {  	[tilespmem:s30+$0x1F70] =	vst v3  }
0xa5: {  	[tilespmem:s30+$0x2070] =	vst v3  }
0xa6: {  	s31 =	simm.s32 $0x2070;
	[tilespmem:s30+$0x2170] =	vst v3  }
0xa7: {  	[tilespmem:s17], [sflag:$0x2] =	stream.indirect.gather [hbm4b:s1+s15], $0x10, s16, s15, $0xb8;
	[tilespmem:$0x10670] =	vst v63  }
0xa8: {  	s0 =	simm.s32 $0x2870;
	s4 =	simm.s32 $0x2C70;
	_ =	swait.ge [sflag:s18], $0x4000  }
0xa9: {  	s10 =	simm.s32 $0x3070;
	s11 =	simm.s32 $0x3470;
	[sflag:s18] =	ssyncset.done $0x0  }
0xaa: {  	s29 =	simm.s32 $0x380;
	s30 =	simm.s32 $0x2470;
	[sflag:s18] =	ssyncadd.s32 $0xFFFFC000  }
.LBB2_5:
0xab: {  	v2 =	vld [tilespmem:s31+$0xFFFFFE00];
	_ =	sdelay $0x1  }
0xac: {  	s12 =	sadd.s32 $0xFFFFFC80, s29  }
0xad: {  	v3 =	vmov s12  }
0xae: {  	v3 =	vshll.u32 v3, $0x4  }
0xaf: {  	v3 =	vor.u32 v1, v3;
	v4 =	vand.u32 $0xFFFFFFF8, v2  }
0xb0: {  	v2 =	vand.u32 $0x7, v2;
	v3 =	vadd.s32 v3, v4  }
0xb1: {  	v2 =	vor.u32 v2, v3;
	_ =	sdelay $0x3  }
0xb2: {  	v3 =	vld [tilespmem:s30+$0xFFFFFE00]  }
0xb3: {  	v2 =	vld.idx.msk [tilespmem:v2+s17+$0x0], $0xffff;
	_ =	sdelay $0x2  }
0xb4: {  	v49 =	vld [tilespmem:s0+$0xFFFFFE00];
	_ =	sdelay $0x1  }
0xb5: {  	vm0 =	vgt.s32 v3, $0x0;
	vm1 =	vgt.s32 v2, $0xFFFFFFFF  }
0xb6: {  	vm0 =	vmand vm1, vm0  }
0xb7: {  	v3 =	vnsel vm0, $0x0, v2  }
0xb8: {  	[tilespmem:s4+$0xFFFFFE00] =	vst v3;
	v3 =	vnsel vm0, $0x0, v49  }
0xb9: {  	v2 =	vnsel vm0, $0xFFFFFFFF, v2;
	[tilespmem:s10+$0xFFFFFE00] =	vst v3  }
0xba: {  	[tilespmem:s11+$0xFFFFFE00] =	vst v2  }
0xbb: {  	v2 =	vld [tilespmem:s31+$0xFFFFFE80];
	_ =	sdelay $0x1  }
0xbc: {  	s12 =	sadd.s32 $0xFFFFFD00, s29  }
0xbd: {  	v3 =	vmov s12  }
0xbe: {  	v3 =	vshll.u32 v3, $0x4  }
0xbf: {  	v3 =	vor.u32 v1, v3;
	v50 =	vand.u32 $0xFFFFFFF8, v2  }
0xc0: {  	v2 =	vand.u32 $0x7, v2;
	v3 =	vadd.s32 v3, v50  }
0xc1: {  	v2 =	vor.u32 v2, v3;
	_ =	sdelay $0x3  }
0xc2: {  	v3 =	vld [tilespmem:s30+$0xFFFFFE80]  }
0xc3: {  	v2 =	vld.idx.msk [tilespmem:v2+s17+$0x0], $0xffff;
	_ =	sdelay $0x2  }
0xc4: {  	v51 =	vld [tilespmem:s0+$0xFFFFFE80];
	_ =	sdelay $0x1  }
0xc5: {  	vm14 =	vgt.s32 v3, $0x0;
	vm15 =	vgt.s32 v2, $0xFFFFFFFF  }
0xc6: {  	vm0 =	vmand vm15, vm14  }
0xc7: {  	v3 =	vnsel vm0, $0x0, v2  }
0xc8: {  	[tilespmem:s4+$0xFFFFFE80] =	vst v3;
	v3 =	vnsel vm0, $0x0, v51  }
0xc9: {  	v2 =	vnsel vm0, $0xFFFFFFFF, v2;
	[tilespmem:s10+$0xFFFFFE80] =	vst v3  }
0xca: {  	[tilespmem:s11+$0xFFFFFE80] =	vst v2  }
0xcb: {  	v2 =	vld [tilespmem:s31+$0xFFFFFF00];
	_ =	sdelay $0x1  }
0xcc: {  	s12 =	sadd.s32 $0xFFFFFD80, s29  }
0xcd: {  	v3 =	vmov s12  }
0xce: {  	v3 =	vshll.u32 v3, $0x4  }
0xcf: {  	v3 =	vor.u32 v1, v3;
	v52 =	vand.u32 $0xFFFFFFF8, v2  }
0xd0: {  	v2 =	vand.u32 $0x7, v2;
	v3 =	vadd.s32 v3, v52  }
0xd1: {  	v2 =	vor.u32 v2, v3;
	_ =	sdelay $0x3  }
0xd2: {  	v3 =	vld [tilespmem:s30+$0xFFFFFF00]  }
0xd3: {  	v2 =	vld.idx.msk [tilespmem:v2+s17+$0x0], $0xffff;
	_ =	sdelay $0x2  }
0xd4: {  	v53 =	vld [tilespmem:s0+$0xFFFFFF00];
	_ =	sdelay $0x1  }
0xd5: {  	vm4 =	vgt.s32 v3, $0x0;
	vm5 =	vgt.s32 v2, $0xFFFFFFFF  }
0xd6: {  	vm0 =	vmand vm5, vm4  }
0xd7: {  	v3 =	vnsel vm0, $0x0, v2  }
0xd8: {  	[tilespmem:s4+$0xFFFFFF00] =	vst v3;
	v3 =	vnsel vm0, $0x0, v53  }
0xd9: {  	v2 =	vnsel vm0, $0xFFFFFFFF, v2;
	[tilespmem:s10+$0xFFFFFF00] =	vst v3  }
0xda: {  	[tilespmem:s11+$0xFFFFFF00] =	vst v2  }
0xdb: {  	v2 =	vld [tilespmem:s31+$0xFFFFFF80];
	_ =	sdelay $0x1  }
0xdc: {  	s12 =	sadd.s32 $0xFFFFFE00, s29  }
0xdd: {  	v3 =	vmov s12  }
0xde: {  	v3 =	vshll.u32 v3, $0x4  }
0xdf: {  	v3 =	vor.u32 v1, v3;
	v54 =	vand.u32 $0xFFFFFFF8, v2  }
0xe0: {  	v2 =	vand.u32 $0x7, v2;
	v3 =	vadd.s32 v3, v54  }
0xe1: {  	v2 =	vor.u32 v2, v3;
	_ =	sdelay $0x3  }
0xe2: {  	v3 =	vld [tilespmem:s30+$0xFFFFFF80]  }
0xe3: {  	v2 =	vld.idx.msk [tilespmem:v2+s17+$0x0], $0xffff;
	_ =	sdelay $0x2  }
0xe4: {  	v55 =	vld [tilespmem:s0+$0xFFFFFF80];
	_ =	sdelay $0x1  }
0xe5: {  	vm6 =	vgt.s32 v3, $0x0;
	vm7 =	vgt.s32 v2, $0xFFFFFFFF  }
0xe6: {  	vm0 =	vmand vm7, vm6  }
0xe7: {  	v3 =	vnsel vm0, $0x0, v2  }
0xe8: {  	[tilespmem:s4+$0xFFFFFF80] =	vst v3;
	v3 =	vnsel vm0, $0x0, v55  }
0xe9: {  	v2 =	vnsel vm0, $0xFFFFFFFF, v2;
	[tilespmem:s10+$0xFFFFFF80] =	vst v3  }
0xea: {  	[tilespmem:s11+$0xFFFFFF80] =	vst v2  }
0xeb: {  	v2 =	vld [tilespmem:s31+$0x0];
	_ =	sdelay $0x1  }
0xec: {  	s12 =	sadd.s32 $0xFFFFFE80, s29  }
0xed: {  	v3 =	vmov s12  }
0xee: {  	v3 =	vshll.u32 v3, $0x4  }
0xef: {  	v3 =	vor.u32 v1, v3;
	v56 =	vand.u32 $0xFFFFFFF8, v2  }
0xf0: {  	v2 =	vand.u32 $0x7, v2;
	v3 =	vadd.s32 v3, v56  }
0xf1: {  	v2 =	vor.u32 v2, v3;
	_ =	sdelay $0x3  }
0xf2: {  	v3 =	vld [tilespmem:s30+$0x0]  }
0xf3: {  	v2 =	vld.idx.msk [tilespmem:v2+s17+$0x0], $0xffff;
	_ =	sdelay $0x2  }
0xf4: {  	v57 =	vld [tilespmem:s0+$0x0];
	_ =	sdelay $0x1  }
0xf5: {  	vm8 =	vgt.s32 v3, $0x0;
	vm9 =	vgt.s32 v2, $0xFFFFFFFF  }
0xf6: {  	vm0 =	vmand vm9, vm8  }
0xf7: {  	v3 =	vnsel vm0, $0x0, v2  }
0xf8: {  	[tilespmem:s4+$0x0] =	vst v3;
	v3 =	vnsel vm0, $0x0, v57  }
0xf9: {  	v2 =	vnsel vm0, $0xFFFFFFFF, v2;
	[tilespmem:s10+$0x0] =	vst v3  }
0xfa: {  	[tilespmem:s11+$0x0] =	vst v2  }
0xfb: {  	v2 =	vld [tilespmem:s31+$0x80];
	_ =	sdelay $0x1  }
0xfc: {  	s12 =	sadd.s32 $0xFFFFFF00, s29  }
0xfd: {  	v3 =	vmov s12  }
0xfe: {  	v3 =	vshll.u32 v3, $0x4  }
0xff: {  	v3 =	vor.u32 v1, v3;
	v58 =	vand.u32 $0xFFFFFFF8, v2  }
0x100: {  	v2 =	vand.u32 $0x7, v2;
	v3 =	vadd.s32 v3, v58  }
0x101: {  	v2 =	vor.u32 v2, v3;
	_ =	sdelay $0x3  }
0x102: {  	v3 =	vld [tilespmem:s30+$0x80]  }
0x103: {  	v2 =	vld.idx.msk [tilespmem:v2+s17+$0x0], $0xffff;
	_ =	sdelay $0x2  }
0x104: {  	v59 =	vld [tilespmem:s0+$0x80];
	_ =	sdelay $0x1  }
0x105: {  	vm10 =	vgt.s32 v3, $0x0;
	vm11 =	vgt.s32 v2, $0xFFFFFFFF  }
0x106: {  	vm0 =	vmand vm11, vm10  }
0x107: {  	v3 =	vnsel vm0, $0x0, v2  }
0x108: {  	[tilespmem:s4+$0x80] =	vst v3;
	v3 =	vnsel vm0, $0x0, v59  }
0x109: {  	v2 =	vnsel vm0, $0xFFFFFFFF, v2;
	[tilespmem:s10+$0x80] =	vst v3  }
0x10a: {  	[tilespmem:s11+$0x80] =	vst v2  }
0x10b: {  	v2 =	vld [tilespmem:s31+$0x100];
	_ =	sdelay $0x1  }
0x10c: {  	s12 =	sadd.s32 $0xFFFFFF80, s29  }
0x10d: {  	v3 =	vmov s12  }
0x10e: {  	v3 =	vshll.u32 v3, $0x4  }
0x10f: {  	v3 =	vor.u32 v1, v3;
	v60 =	vand.u32 $0xFFFFFFF8, v2  }
0x110: {  	v2 =	vand.u32 $0x7, v2;
	v3 =	vadd.s32 v3, v60  }
0x111: {  	v2 =	vor.u32 v2, v3;
	_ =	sdelay $0x3  }
0x112: {  	v3 =	vld [tilespmem:s30+$0x100]  }
0x113: {  	v2 =	vld.idx.msk [tilespmem:v2+s17+$0x0], $0xffff;
	_ =	sdelay $0x2  }
0x114: {  	v61 =	vld [tilespmem:s0+$0x100];
	_ =	sdelay $0x1  }
0x115: {  	vm12 =	vgt.s32 v3, $0x0;
	vm13 =	vgt.s32 v2, $0xFFFFFFFF  }
0x116: {  	vm0 =	vmand vm13, vm12  }
0x117: {  	v3 =	vnsel vm0, $0x0, v2  }
0x118: {  	[tilespmem:s4+$0x100] =	vst v3;
	v3 =	vnsel vm0, $0x0, v61  }
0x119: {  	v2 =	vnsel vm0, $0xFFFFFFFF, v2;
	[tilespmem:s10+$0x100] =	vst v3  }
0x11a: {  	[tilespmem:s11+$0x100] =	vst v2  }
0x11b: {  	v2 =	vld [tilespmem:s31+$0x180];
	_ =	sdelay $0x2  }
0x11c: {  	v3 =	vmov s29  }
0x11d: {  	v3 =	vshll.u32 v3, $0x4  }
0x11e: {  	v3 =	vor.u32 v1, v3;
	v62 =	vand.u32 $0xFFFFFFF8, v2  }
0x11f: {  	v2 =	vand.u32 $0x7, v2;
	v3 =	vadd.s32 v3, v62  }
0x120: {  	v2 =	vor.u32 v2, v3;
	_ =	sdelay $0x3  }
0x121: {  	v3 =	vld [tilespmem:s30+$0x180]  }
0x122: {  	v2 =	vld.idx.msk [tilespmem:v2+s17+$0x0], $0xffff;
	_ =	sdelay $0x2  }
0x123: {  	v63 =	vld [tilespmem:s0+$0x180];
	_ =	sdelay $0x1  }
0x124: {  	p1 =	sne.s32 s29, $0x3F0;
	vm14 =	vgt.s32 v3, $0x0;
	vm15 =	vgt.s32 v2, $0xFFFFFFFF  }
.Ltmp1:
0x125: {  	vm0 =	vmand vm15, vm14;
	(pc) =	sbr.rel @p1 .LBB2_5-.Ltmp1, $4  }
0x126: {  	v3 =	vnsel vm0, $0x0, v2  }
0x127: {  	s29 =	sadd.s32 $0x10, s29;
	[tilespmem:s4+$0x180] =	vst v3;
	v3 =	vnsel vm0, $0x0, v63  }
0x128: {  	s31 =	sadd.s32 $0x10, s31;
	s0 =	sadd.s32 $0x10, s0;
	s30 =	sadd.s32 $0x10, s30;
	v2 =	vnsel vm0, $0xFFFFFFFF, v2;
	[tilespmem:s10+$0x180] =	vst v3  }
0x129: {  	s4 =	sadd.s32 $0x10, s4;
	s10 =	sadd.s32 $0x10, s10;
	[tilespmem:s11+$0x180] =	vst v2;
	s11 =	sadd.s32 $0x10, s11  }
0x12a: {  	[tilespmem:s20], [sflag:$0x2] =	stream.indirect.gather [hbm4b:s3+s15], $0x20, s19, s15, $0xb8;
	[tilespmem:$0x10670] =	vst v63  }
0x12b: {  	_ =	swait.ge [sflag:s18], $0x8000  }
0x12c: {  	s0 =	sshll.u32 s28, $0x9;
	[sflag:s18] =	ssyncset.done $0x0  }
0x12d: {  	s31 =	sshll.u32 s28, $0x7;
	s0 =	sadd.s32 s6, s0;
	[sflag:s18] =	ssyncadd.s32 $0xFFFF8000  }
0x12e: {  	[hbm4b:s0+s5] =	stream.linear.scatter [tilespmem:s21], [sflag:$0x3], $0x1000, $0x38;
	[tilespmem:$0x10670] =	vst v63  }
0x12f: {  	s4 =	sadd.s32 s7, s31  }
0x130: {  	[hbm4b:s4+s5] =	stream.linear.scatter [tilespmem:s22], [sflag:$0x3], $0x400, $0x38;
	[tilespmem:$0x10670] =	vst v63  }
0x131: {  	s0 =	sadd.s32 s8, s31  }
0x132: {  	[hbm4b:s0+s5] =	stream.linear.scatter [tilespmem:s23], [sflag:$0x3], $0x400, $0x38;
	[tilespmem:$0x10670] =	vst v63  }
0x133: {  	_ =	swait.ge [sflag:s24], $0x1000  }
0x134: {  	[sflag:s24] =	ssyncset.done $0x0  }
0x135: {  	s26 =	sadd.s32 $0x1, s26;
	[sflag:s24] =	ssyncadd.s32 $0xFFFFF000  }
0x136: {  	p1 =	sne.s32 s26, $0x31;
	_ =	swait.ge [sflag:s24], $0x400  }
.Ltmp2:
0x137: {  	[sflag:s24] =	ssyncset.done $0x0;
	(pc) =	sbr.rel @p1 .LBB2_2-.Ltmp2, $4  }
0x138: {  	[sflag:s24] =	ssyncadd.s32 $0xFFFFFC00  }
0x139: {  	_ =	swait.ge [sflag:s24], $0x400  }
0x13a: {  	[sflag:s24] =	ssyncset.done $0x0  }
0x13b: {  	[sflag:s24] =	ssyncadd.s32 $0xFFFFFC00  }
0x13c: {  	[bflag:$0x0] =	sbarrier.arrive $0xFFFF  }
0x13d: {  	s4 =	rddreg [dreg:$0x6]  }
0x13e: {  	s0 =	simm.s32 @!p0 $0x1C04;
	s10 =	rddreg [dreg:$0x8]  }
0x13f: {  	[hbm:s4], [sflag:s0] =	dma.local @!p0 [spmem:s10], $0x30D4  }
0x140: {  	s0 =	simm.s32 @!p0 $0x4  }
0x141: {  	_ =	swait.ge @!p0 [sflag:s0], $0x30D4  }
0x142: {  	s25 =	sadd.s32 $0x1, s25;
	s31 =	rddreg [dreg:$0x7]  }
0x143: {  	p1 =	sne.s32 s25, s31  }
.Ltmp3:
0x144: {  	_ = 	snop;
	(pc) =	sbr.rel @p1 .LBB2_1-.Ltmp3, $3  }
0x145: {  	_ =	sdelay $0x1  }
0x146: {  	[sflag:s0] =	ssyncset.done @!p0 $0x0  }
0x147: {  	[sflag:s0] =	ssyncadd.s32 @!p0 $0xFFFFCF2C  }
0x148: {  	_ =	sfence.sel $0x180000  }
0x149: {  	[bflag:$0x0] =	sbarrier.arrive $0xFFFF  }
0x14a: {  	_ =	strace $0x90000047  }
0x14b: {  	[bflag:$0x2] =	sbarrier.arrive $0xFFFF  }
0x14c: {  	s0 =	rddreg [dreg:$0x5]  }
0x14d: {  	s0 =	sadd.s32 @!p0 $0x100000, s0  }
0x14e: {  	[sflag:s0] =	ssyncadd.tile.s32 @!p0 $0x1;
	_ =	shalt  }
.Lfunc_end2:
_tile_overlayer_lowered:
.L_overlay_start_2:
0x14f: {  	(tag) =	ssettag $0x2  }
0x150: {  	s0 =	rddreg [dreg:$0x0];
	s2 =	stileid.u32  }
0x151: {  	s1 =	rddreg [dreg:$0x1];
	p0 =	sne.s32 s2, $0x0  }
0x152: {  	s3 =	rddreg [dreg:$0x2];
	[bflag:$0x3] =	sbarrier.arrive $0xFFFF;
	s2 =	simm.s32 @!p0 $0x1C04  }
0x153: {  	[timem:s3], [sflag:s2] =	dma.local @!p0 [hbm:s0], s1  }
0x154: {  	s0 =	simm.s32 @!p0 $0x4  }
0x155: {  	_ =	swait.ge @!p0 [sflag:s0], s1  }
0x156: {  	s1 =	ssub.s32 @!p0 $0x0, s1;
	[sflag:s0] =	ssyncset.done @!p0 $0x0  }
0x157: {  	[sflag:s0] =	ssyncadd.s32 @!p0 s1  }
0x158: {  	[bflag:$0x3] =	sbarrier.arrive $0xFFFF  }
0x159: {  	_ =	shalt  }

</sc_bundles>
